<compile_context>
chip_gen: v7x
topology: tpu7x:2x2x1
jax: 0.10.2.dev20260603
libtpu: 0.0.44.dev20260713+nightly
codegen_flags: <defaults>
</compile_context>

<pallas_src>
import functools

import jax
import jax.numpy as jnp
from jax import lax
from jax.experimental import pallas as pl
from jax.experimental.pallas import tpu as pltpu
from jax.experimental.pallas import tpu_sc as plsc

BATCH = 4096
HIST = 200
EMBED_DIM = 64
VOCAB = 1001
NUM_CORES = 2
NUM_SUBCORES = 16
NW = NUM_CORES * NUM_SUBCORES
ROWS_W = BATCH // NW
HALF = HIST // 2
CB = 2
K = 2 * CB
NCHUNK = ROWS_W // CB

_mesh = plsc.VectorSubcoreMesh(core_axis_name="c", subcore_axis_name="s")


@functools.partial(
    pl.kernel,
    mesh=_mesh,
    out_type=jax.ShapeDtypeStruct((BATCH, HIST, 2 * EMBED_DIM), jnp.float32),
    scratch_types=[
        pltpu.VMEM((2 * ROWS_W, HALF), jnp.int32),
        pltpu.VMEM((2, CB, HIST, EMBED_DIM), jnp.float32),
        pltpu.VMEM_SHARED((VOCAB, EMBED_DIM), jnp.float32),
        pltpu.SemaphoreType.DMA,
        pltpu.SemaphoreType.DMA,
        pltpu.SemaphoreType.DMA,
        pltpu.SemaphoreType.DMA,
    ],
    compiler_params=pltpu.CompilerParams(use_tc_tiling_on_sc=False),
)
def _embed(table_hbm, idx_hbm, out_hbm, idx_v, rows_v, tab_s, g0, g1, o0, o1):
    wid = lax.axis_index("s") * NUM_CORES + lax.axis_index("c")
    base_b = wid * ROWS_W
    gsem = (g0, g1)
    osem = (o0, o1)

    @pl.when(lax.axis_index("s") == 0)
    def _():
        pltpu.sync_copy(table_hbm, tab_s)

    pltpu.sync_copy(idx_hbm.at[pl.ds(wid * 2 * ROWS_W, 2 * ROWS_W)], idx_v)
    plsc.subcore_barrier()

    def fire_g(c, b):
        for j in range(K):
            r, h = j // 2, j % 2
            pltpu.async_copy(
                tab_s.at[idx_v.at[c * K + j]],
                rows_v.at[b].at[r].at[pl.ds(h * HALF, HALF)],
                gsem[b],
            )

    def wait_g(b):
        for _ in range(K):
            pltpu.make_async_copy(
                out_hbm.at[0].at[pl.ds(0, HALF), pl.ds(0, EMBED_DIM)],
                rows_v.at[b].at[0].at[pl.ds(0, HALF)],
                gsem[b],
            ).wait()

    def fire_o(c, b):
        pltpu.async_copy(
            rows_v.at[b],
            out_hbm.at[pl.ds(base_b + c * CB, CB), :, pl.ds(0, EMBED_DIM)],
            osem[b],
        )

    def drain_o(b):
        pltpu.make_async_copy(
            out_hbm.at[pl.ds(0, CB), :, pl.ds(0, EMBED_DIM)],
            rows_v.at[b],
            osem[b],
        ).wait()

    def step(c, b):
        wait_g(1 - b)
        fire_o(c - 1, 1 - b)
        drain_o(b)
        fire_g(c, b)

    fire_g(0, 0)
    wait_g(0)
    fire_o(0, 0)
    fire_g(1, 1)

    def body(g, carry):
        step(2 * g, 0)
        step(2 * g + 1, 1)
        return carry

    lax.fori_loop(1, NCHUNK // 2, body, 0)

    wait_g(1)
    fire_o(NCHUNK - 1, 1)
    drain_o(0)
    drain_o(1)


def kernel(vectors, table):
    idx = vectors.reshape(2 * BATCH, HALF)
    out = _embed(table, idx)
    return out[:, :, :EMBED_DIM]

# --- scband reference (transcript-rebuilt; emitter-appended) ---
"""Pipeline reference for scband-word-embedder-83184926589490 (READ-ONLY COPY).

The authoritative reference and input builder live on the scoring server;
editing this copy changes nothing except your own understanding.
"""

import jax, jax.numpy as jnp
import numpy as np

VOCAB = 1001  # len(w2i) + 1
EMBED_DIM = 64
BATCH = 4096
HIST = 200

def setup_inputs(seed: int = 0) -> dict:
    key = jax.random.key(seed)
    k1, k2 = jax.random.split(key)
    vectors = jax.random.randint(k1, (BATCH, HIST), 0, 1000, dtype=jnp.int32)
    # nn.Embedding default init: N(0, 1)
    table = jax.random.normal(k2, (VOCAB, EMBED_DIM), dtype=jnp.float32)
    return {"vectors": vectors, "table": table}

def reference(vectors, table):
    # WordEmbedder.forward: self.embedding(vectors)
    return jnp.take(table, vectors, axis=0)

if __name__ == "__main__":
    import jax
    _d = setup_inputs()
    print(jax.jit(kernel)(*tuple(_d.values())))

</pallas_src>

<mosaic_0001>
#map = affine_map<(d0, d1) -> (0, 0)>
#map1 = affine_map<(d0, d1) -> (0, 0, 0)>
module attributes {stable_mosaic.version = 14 : i64} {
  func.func @_embed(%arg0: i32, %arg1: i32, %arg2: memref<1001x64xf32, #tpu.memory_space<hbm>>, %arg3: memref<8192x100xi32, #tpu.memory_space<hbm>>, %arg4: memref<4096x200x128xf32, #tpu.memory_space<hbm>>, %arg5: memref<256x100xi32, #tpu.memory_space<vmem>>, %arg6: memref<2x2x200x64xf32, #tpu.memory_space<vmem>>, %arg7: memref<1001x64xf32, #tpu.memory_space<vmem_shared>>, %arg8: memref<!tpu.dma_semaphore, #tpu.memory_space<semaphore_mem>>, %arg9: memref<!tpu.dma_semaphore, #tpu.memory_space<semaphore_mem>>, %arg10: memref<!tpu.dma_semaphore, #tpu.memory_space<semaphore_mem>>, %arg11: memref<!tpu.dma_semaphore, #tpu.memory_space<semaphore_mem>>) attributes {dimension_semantics = [#tpu.dimension_semantics<core_parallel>, #tpu.dimension_semantics<subcore_parallel>], iteration_bounds = array<i64: 2, 16>, scalar_prefetch = 0 : i64, scratch_operands = 7 : i64, tpu.core_type = #tpu.core_type<sc_vector_subcore>, window_params = [{transform_indices = #map}, {transform_indices = #map}, {transform_indices = #map1}]} {
    %mul3A = arith.constant 2 : i32
    %mul3A_0 = arith.muli %arg1, %mul3A : i32
    %add3A = arith.addi %mul3A_0, %arg0 : i32
    %mul3A_1 = arith.constant 128 : i32
    %mul3A_2 = arith.muli %add3A, %mul3A_1 : i32
    %eq3A = arith.constant 0 : i32
    %eq3A_3 = arith.cmpi eq, %arg1, %eq3A : i32
    %convert_element_type3A = arith.extui %eq3A_3 : i1 to i32
    %cond3A = arith.constant 0 : i32
    %cond3A_4 = arith.cmpi ne, %convert_element_type3A, %cond3A : i32
    scf.if %cond3A_4 {
      "tpu.region"() ({
        %run_scoped3A = tpu.sem_alloc : memref<!tpu.dma_semaphore, #tpu.memory_space<semaphore_mem>>
        tpu.enqueue_dma source(%arg2 : memref<1001x64xf32, #tpu.memory_space<hbm>>) target(%arg7 : memref<1001x64xf32, #tpu.memory_space<vmem_shared>>) target_semaphore(%run_scoped3A : memref<!tpu.dma_semaphore, #tpu.memory_space<semaphore_mem>>)
        tpu.wait_dma2 semaphore(%run_scoped3A : memref<!tpu.dma_semaphore, #tpu.memory_space<semaphore_mem>>) src(%arg2 : memref<1001x64xf32, #tpu.memory_space<hbm>>) dst(%arg7 : memref<1001x64xf32, #tpu.memory_space<vmem_shared>>)
        tpu.yield
      }) : () -> ()
    } else {
    }
    %mul3A_5 = arith.constant 2 : i32
    %mul3A_6 = arith.muli %add3A, %mul3A_5 : i32
    %mul3A_7 = arith.constant 128 : i32
    %mul3A_8 = arith.muli %mul3A_6, %mul3A_7 : i32
    "tpu.region"() ({
      %run_scoped3A = tpu.sem_alloc : memref<!tpu.dma_semaphore, #tpu.memory_space<semaphore_mem>>
      %dma_start3A_584 = arith.constant 0 : i32
      %dma_start3A_585 = tpu.memref_slice %arg3[%mul3A_8, %dma_start3A_584] : memref<8192x100xi32, #tpu.memory_space<hbm>> -> memref<256x100xi32, #tpu.memory_space<hbm>>
      %dma_start3A_586 = arith.constant 0 : i32
      %dma_start3A_587 = tpu.memref_slice %arg3[%mul3A_8, %dma_start3A_586] : memref<8192x100xi32, #tpu.memory_space<hbm>> -> memref<256x100xi32, #tpu.memory_space<hbm>>
      tpu.enqueue_dma source(%dma_start3A_587 : memref<256x100xi32, #tpu.memory_space<hbm>>) target(%arg5 : memref<256x100xi32, #tpu.memory_space<vmem>>) target_semaphore(%run_scoped3A : memref<!tpu.dma_semaphore, #tpu.memory_space<semaphore_mem>>)
      %dma_wait3A_588 = arith.constant 0 : i32
      %dma_wait3A_589 = tpu.memref_slice %arg3[%mul3A_8, %dma_wait3A_588] : memref<8192x100xi32, #tpu.memory_space<hbm>> -> memref<256x100xi32, #tpu.memory_space<hbm>>
      %dma_wait3A_590 = arith.constant 0 : i32
      %dma_wait3A_591 = tpu.memref_slice %arg3[%mul3A_8, %dma_wait3A_590] : memref<8192x100xi32, #tpu.memory_space<hbm>> -> memref<256x100xi32, #tpu.memory_space<hbm>>
      tpu.wait_dma2 semaphore(%run_scoped3A : memref<!tpu.dma_semaphore, #tpu.memory_space<semaphore_mem>>) src(%dma_wait3A_591 : memref<256x100xi32, #tpu.memory_space<hbm>>) dst(%arg5 : memref<256x100xi32, #tpu.memory_space<vmem>>)
      tpu.yield
    }) : () -> ()
    %barrier3A = arith.constant 0 : index
    tpu.barrier barrier_id(%barrier3A)
    %dma_start3A = arith.constant 0 : i32
    %dma_start3A_9 = arith.constant 0 : i32
    %dma_start3A_10 = arith.constant 0 : i32
    %dma_start3A_11 = arith.constant 0 : i32
    %dma_start3A_12 = arith.constant 0 : i32
    %dma_start3A_13 = arith.constant 0 : i32
    %dma_start3A_14 = tpu.memref_slice %arg6[%dma_start3A_9, %dma_start3A_11, %dma_start3A_12, %dma_start3A_13] : memref<2x2x200x64xf32, #tpu.memory_space<vmem>> -> memref<1x2x200x64xf32, #tpu.memory_space<vmem>>
    %dma_start3A_15 = tpu.memref_squeeze %dma_start3A_14 : memref<1x2x200x64xf32, #tpu.memory_space<vmem>> -> memref<2x200x64xf32, #tpu.memory_space<vmem>>
    %dma_start3A_16 = arith.constant 0 : i32
    %dma_start3A_17 = arith.constant 0 : i32
    %dma_start3A_18 = tpu.memref_slice %dma_start3A_15[%dma_start3A_10, %dma_start3A_16, %dma_start3A_17] : memref<2x200x64xf32, #tpu.memory_space<vmem>> -> memref<1x200x64xf32, #tpu.memory_space<vmem>>
    %dma_start3A_19 = tpu.memref_squeeze %dma_start3A_18 : memref<1x200x64xf32, #tpu.memory_space<vmem>> -> memref<200x64xf32, #tpu.memory_space<vmem>>
    %dma_start3A_20 = arith.constant 0 : i32
    %dma_start3A_21 = arith.constant 0 : i32
    %dma_start3A_22 = tpu.memref_slice %dma_start3A_19[%dma_start3A_20, %dma_start3A_21] : memref<200x64xf32, #tpu.memory_space<vmem>> -> memref<100x64xf32, #tpu.memory_space<vmem>>
    %dma_start3A_23 = arith.constant 0 : i32
    %dma_start3A_24 = tpu.memref_slice %arg5[%dma_start3A, %dma_start3A_23] : memref<256x100xi32, #tpu.memory_space<vmem>> -> memref<1x100xi32, #tpu.memory_space<vmem>>
    %dma_start3A_25 = tpu.memref_squeeze %dma_start3A_24 : memref<1x100xi32, #tpu.memory_space<vmem>> -> memref<100xi32, #tpu.memory_space<vmem>>
    %dma_start3A_26 = arith.constant 0 : i32
    %dma_start3A_27 = arith.constant 0 : i32
    %dma_start3A_28 = tpu.memref_slice %arg7[%dma_start3A_26, %dma_start3A_27] : memref<1001x64xf32, #tpu.memory_space<vmem_shared>> -> memref<1001x64xf32, #tpu.memory_space<vmem_shared>>
    tpu.enqueue_indirect_dma source(%dma_start3A_28 : memref<1001x64xf32, #tpu.memory_space<vmem_shared>>) target(%dma_start3A_22 : memref<100x64xf32, #tpu.memory_space<vmem>>) offsets(%dma_start3A_25 : memref<100xi32, #tpu.memory_space<vmem>>) semaphore(%arg8 : memref<!tpu.dma_semaphore, #tpu.memory_space<semaphore_mem>>)
    %dma_start3A_29 = arith.constant 1 : i32
    %dma_start3A_30 = arith.constant 0 : i32
    %dma_start3A_31 = arith.constant 0 : i32
    %dma_start3A_32 = arith.constant 0 : i32
    %dma_start3A_33 = arith.constant 0 : i32
    %dma_start3A_34 = arith.constant 0 : i32
    %dma_start3A_35 = tpu.memref_slice %arg6[%dma_start3A_30, %dma_start3A_32, %dma_start3A_33, %dma_start3A_34] : memref<2x2x200x64xf32, #tpu.memory_space<vmem>> -> memref<1x2x200x64xf32, #tpu.memory_space<vmem>>
    %dma_start3A_36 = tpu.memref_squeeze %dma_start3A_35 : memref<1x2x200x64xf32, #tpu.memory_space<vmem>> -> memref<2x200x64xf32, #tpu.memory_space<vmem>>
    %dma_start3A_37 = arith.constant 0 : i32
    %dma_start3A_38 = arith.constant 0 : i32
    %dma_start3A_39 = tpu.memref_slice %dma_start3A_36[%dma_start3A_31, %dma_start3A_37, %dma_start3A_38] : memref<2x200x64xf32, #tpu.memory_space<vmem>> -> memref<1x200x64xf32, #tpu.memory_space<vmem>>
    %dma_start3A_40 = tpu.memref_squeeze %dma_start3A_39 : memref<1x200x64xf32, #tpu.memory_space<vmem>> -> memref<200x64xf32, #tpu.memory_space<vmem>>
    %dma_start3A_41 = arith.constant 100 : i32
    %dma_start3A_42 = arith.constant 0 : i32
    %dma_start3A_43 = tpu.memref_slice %dma_start3A_40[%dma_start3A_41, %dma_start3A_42] : memref<200x64xf32, #tpu.memory_space<vmem>> -> memref<100x64xf32, #tpu.memory_space<vmem>>
    %dma_start3A_44 = arith.constant 0 : i32
    %dma_start3A_45 = tpu.memref_slice %arg5[%dma_start3A_29, %dma_start3A_44] : memref<256x100xi32, #tpu.memory_space<vmem>> -> memref<1x100xi32, #tpu.memory_space<vmem>>
    %dma_start3A_46 = tpu.memref_squeeze %dma_start3A_45 : memref<1x100xi32, #tpu.memory_space<vmem>> -> memref<100xi32, #tpu.memory_space<vmem>>
    %dma_start3A_47 = arith.constant 0 : i32
    %dma_start3A_48 = arith.constant 0 : i32
    %dma_start3A_49 = tpu.memref_slice %arg7[%dma_start3A_47, %dma_start3A_48] : memref<1001x64xf32, #tpu.memory_space<vmem_shared>> -> memref<1001x64xf32, #tpu.memory_space<vmem_shared>>
    tpu.enqueue_indirect_dma source(%dma_start3A_49 : memref<1001x64xf32, #tpu.memory_space<vmem_shared>>) target(%dma_start3A_43 : memref<100x64xf32, #tpu.memory_space<vmem>>) offsets(%dma_start3A_46 : memref<100xi32, #tpu.memory_space<vmem>>) semaphore(%arg8 : memref<!tpu.dma_semaphore, #tpu.memory_space<semaphore_mem>>)
    %dma_start3A_50 = arith.constant 2 : i32
    %dma_start3A_51 = arith.constant 0 : i32
    %dma_start3A_52 = arith.constant 1 : i32
    %dma_start3A_53 = arith.constant 0 : i32
    %dma_start3A_54 = arith.constant 0 : i32
    %dma_start3A_55 = arith.constant 0 : i32
    %dma_start3A_56 = tpu.memref_slice %arg6[%dma_start3A_51, %dma_start3A_53, %dma_start3A_54, %dma_start3A_55] : memref<2x2x200x64xf32, #tpu.memory_space<vmem>> -> memref<1x2x200x64xf32, #tpu.memory_space<vmem>>
    %dma_start3A_57 = tpu.memref_squeeze %dma_start3A_56 : memref<1x2x200x64xf32, #tpu.memory_space<vmem>> -> memref<2x200x64xf32, #tpu.memory_space<vmem>>
    %dma_start3A_58 = arith.constant 0 : i32
    %dma_start3A_59 = arith.constant 0 : i32
    %dma_start3A_60 = tpu.memref_slice %dma_start3A_57[%dma_start3A_52, %dma_start3A_58, %dma_start3A_59] : memref<2x200x64xf32, #tpu.memory_space<vmem>> -> memref<1x200x64xf32, #tpu.memory_space<vmem>>
    %dma_start3A_61 = tpu.memref_squeeze %dma_start3A_60 : memref<1x200x64xf32, #tpu.memory_space<vmem>> -> memref<200x64xf32, #tpu.memory_space<vmem>>
    %dma_start3A_62 = arith.constant 0 : i32
    %dma_start3A_63 = arith.constant 0 : i32
    %dma_start3A_64 = tpu.memref_slice %dma_start3A_61[%dma_start3A_62, %dma_start3A_63] : memref<200x64xf32, #tpu.memory_space<vmem>> -> memref<100x64xf32, #tpu.memory_space<vmem>>
    %dma_start3A_65 = arith.constant 0 : i32
    %dma_start3A_66 = tpu.memref_slice %arg5[%dma_start3A_50, %dma_start3A_65] : memref<256x100xi32, #tpu.memory_space<vmem>> -> memref<1x100xi32, #tpu.memory_space<vmem>>
    %dma_start3A_67 = tpu.memref_squeeze %dma_start3A_66 : memref<1x100xi32, #tpu.memory_space<vmem>> -> memref<100xi32, #tpu.memory_space<vmem>>
    %dma_start3A_68 = arith.constant 0 : i32
    %dma_start3A_69 = arith.constant 0 : i32
    %dma_start3A_70 = tpu.memref_slice %arg7[%dma_start3A_68, %dma_start3A_69] : memref<1001x64xf32, #tpu.memory_space<vmem_shared>> -> memref<1001x64xf32, #tpu.memory_space<vmem_shared>>
    tpu.enqueue_indirect_dma source(%dma_start3A_70 : memref<1001x64xf32, #tpu.memory_space<vmem_shared>>) target(%dma_start3A_64 : memref<100x64xf32, #tpu.memory_space<vmem>>) offsets(%dma_start3A_67 : memref<100xi32, #tpu.memory_space<vmem>>) semaphore(%arg8 : memref<!tpu.dma_semaphore, #tpu.memory_space<semaphore_mem>>)
    %dma_start3A_71 = arith.constant 3 : i32
    %dma_start3A_72 = arith.constant 0 : i32
    %dma_start3A_73 = arith.constant 1 : i32
    %dma_start3A_74 = arith.constant 0 : i32
    %dma_start3A_75 = arith.constant 0 : i32
    %dma_start3A_76 = arith.constant 0 : i32
    %dma_start3A_77 = tpu.memref_slice %arg6[%dma_start3A_72, %dma_start3A_74, %dma_start3A_75, %dma_start3A_76] : memref<2x2x200x64xf32, #tpu.memory_space<vmem>> -> memref<1x2x200x64xf32, #tpu.memory_space<vmem>>
    %dma_start3A_78 = tpu.memref_squeeze %dma_start3A_77 : memref<1x2x200x64xf32, #tpu.memory_space<vmem>> -> memref<2x200x64xf32, #tpu.memory_space<vmem>>
    %dma_start3A_79 = arith.constant 0 : i32
    %dma_start3A_80 = arith.constant 0 : i32
    %dma_start3A_81 = tpu.memref_slice %dma_start3A_78[%dma_start3A_73, %dma_start3A_79, %dma_start3A_80] : memref<2x200x64xf32, #tpu.memory_space<vmem>> -> memref<1x200x64xf32, #tpu.memory_space<vmem>>
    %dma_start3A_82 = tpu.memref_squeeze %dma_start3A_81 : memref<1x200x64xf32, #tpu.memory_space<vmem>> -> memref<200x64xf32, #tpu.memory_space<vmem>>
    %dma_start3A_83 = arith.constant 100 : i32
    %dma_start3A_84 = arith.constant 0 : i32
    %dma_start3A_85 = tpu.memref_slice %dma_start3A_82[%dma_start3A_83, %dma_start3A_84] : memref<200x64xf32, #tpu.memory_space<vmem>> -> memref<100x64xf32, #tpu.memory_space<vmem>>
    %dma_start3A_86 = arith.constant 0 : i32
    %dma_start3A_87 = tpu.memref_slice %arg5[%dma_start3A_71, %dma_start3A_86] : memref<256x100xi32, #tpu.memory_space<vmem>> -> memref<1x100xi32, #tpu.memory_space<vmem>>
    %dma_start3A_88 = tpu.memref_squeeze %dma_start3A_87 : memref<1x100xi32, #tpu.memory_space<vmem>> -> memref<100xi32, #tpu.memory_space<vmem>>
    %dma_start3A_89 = arith.constant 0 : i32
    %dma_start3A_90 = arith.constant 0 : i32
    %dma_start3A_91 = tpu.memref_slice %arg7[%dma_start3A_89, %dma_start3A_90] : memref<1001x64xf32, #tpu.memory_space<vmem_shared>> -> memref<1001x64xf32, #tpu.memory_space<vmem_shared>>
    tpu.enqueue_indirect_dma source(%dma_start3A_91 : memref<1001x64xf32, #tpu.memory_space<vmem_shared>>) target(%dma_start3A_85 : memref<100x64xf32, #tpu.memory_space<vmem>>) offsets(%dma_start3A_88 : memref<100xi32, #tpu.memory_space<vmem>>) semaphore(%arg8 : memref<!tpu.dma_semaphore, #tpu.memory_space<semaphore_mem>>)
    %dma_wait3A = arith.constant 0 : i32
    %dma_wait3A_92 = arith.constant 0 : i32
    %dma_wait3A_93 = arith.constant 0 : i32
    %dma_wait3A_94 = arith.constant 0 : i32
    %dma_wait3A_95 = arith.constant 0 : i32
    %dma_wait3A_96 = arith.constant 0 : i32
    %dma_wait3A_97 = tpu.memref_slice %arg6[%dma_wait3A_92, %dma_wait3A_94, %dma_wait3A_95, %dma_wait3A_96] : memref<2x2x200x64xf32, #tpu.memory_space<vmem>> -> memref<1x2x200x64xf32, #tpu.memory_space<vmem>>
    %dma_wait3A_98 = tpu.memref_squeeze %dma_wait3A_97 : memref<1x2x200x64xf32, #tpu.memory_space<vmem>> -> memref<2x200x64xf32, #tpu.memory_space<vmem>>
    %dma_wait3A_99 = arith.constant 0 : i32
    %dma_wait3A_100 = arith.constant 0 : i32
    %dma_wait3A_101 = tpu.memref_slice %dma_wait3A_98[%dma_wait3A_93, %dma_wait3A_99, %dma_wait3A_100] : memref<2x200x64xf32, #tpu.memory_space<vmem>> -> memref<1x200x64xf32, #tpu.memory_space<vmem>>
    %dma_wait3A_102 = tpu.memref_squeeze %dma_wait3A_101 : memref<1x200x64xf32, #tpu.memory_space<vmem>> -> memref<200x64xf32, #tpu.memory_space<vmem>>
    %dma_wait3A_103 = arith.constant 0 : i32
    %dma_wait3A_104 = arith.constant 0 : i32
    %dma_wait3A_105 = tpu.memref_slice %dma_wait3A_102[%dma_wait3A_103, %dma_wait3A_104] : memref<200x64xf32, #tpu.memory_space<vmem>> -> memref<100x64xf32, #tpu.memory_space<vmem>>
    %dma_wait3A_106 = arith.constant 0 : i32
    %dma_wait3A_107 = arith.constant 0 : i32
    %dma_wait3A_108 = tpu.memref_slice %arg4[%dma_wait3A, %dma_wait3A_106, %dma_wait3A_107] : memref<4096x200x128xf32, #tpu.memory_space<hbm>> -> memref<1x200x128xf32, #tpu.memory_space<hbm>>
    %dma_wait3A_109 = tpu.memref_squeeze %dma_wait3A_108 : memref<1x200x128xf32, #tpu.memory_space<hbm>> -> memref<200x128xf32, #tpu.memory_space<hbm>>
    %dma_wait3A_110 = arith.constant 0 : i32
    %dma_wait3A_111 = arith.constant 0 : i32
    %dma_wait3A_112 = tpu.memref_slice %dma_wait3A_109[%dma_wait3A_110, %dma_wait3A_111] : memref<200x128xf32, #tpu.memory_space<hbm>> -> memref<100x64xf32, #tpu.memory_space<hbm>>
    %dma_wait3A_113 = arith.constant 0 : i32
    %dma_wait3A_114 = arith.constant 0 : i32
    %dma_wait3A_115 = arith.constant 0 : i32
    %dma_wait3A_116 = tpu.memref_slice %arg6[%dma_wait3A_92, %dma_wait3A_113, %dma_wait3A_114, %dma_wait3A_115] : memref<2x2x200x64xf32, #tpu.memory_space<vmem>> -> memref<1x2x200x64xf32, #tpu.memory_space<vmem>>
    %dma_wait3A_117 = tpu.memref_squeeze %dma_wait3A_116 : memref<1x2x200x64xf32, #tpu.memory_space<vmem>> -> memref<2x200x64xf32, #tpu.memory_space<vmem>>
    %dma_wait3A_118 = arith.constant 0 : i32
    %dma_wait3A_119 = arith.constant 0 : i32
    %dma_wait3A_120 = tpu.memref_slice %dma_wait3A_117[%dma_wait3A_93, %dma_wait3A_118, %dma_wait3A_119] : memref<2x200x64xf32, #tpu.memory_space<vmem>> -> memref<1x200x64xf32, #tpu.memory_space<vmem>>
    %dma_wait3A_121 = tpu.memref_squeeze %dma_wait3A_120 : memref<1x200x64xf32, #tpu.memory_space<vmem>> -> memref<200x64xf32, #tpu.memory_space<vmem>>
    %dma_wait3A_122 = arith.constant 0 : i32
    %dma_wait3A_123 = arith.constant 0 : i32
    %dma_wait3A_124 = tpu.memref_slice %dma_wait3A_121[%dma_wait3A_122, %dma_wait3A_123] : memref<200x64xf32, #tpu.memory_space<vmem>> -> memref<100x64xf32, #tpu.memory_space<vmem>>
    %dma_wait3A_125 = arith.constant 0 : i32
    %dma_wait3A_126 = arith.constant 0 : i32
    %dma_wait3A_127 = tpu.memref_slice %arg4[%dma_wait3A, %dma_wait3A_125, %dma_wait3A_126] : memref<4096x200x128xf32, #tpu.memory_space<hbm>> -> memref<1x200x128xf32, #tpu.memory_space<hbm>>
    %dma_wait3A_128 = tpu.memref_squeeze %dma_wait3A_127 : memref<1x200x128xf32, #tpu.memory_space<hbm>> -> memref<200x128xf32, #tpu.memory_space<hbm>>
    %dma_wait3A_129 = arith.constant 0 : i32
    %dma_wait3A_130 = arith.constant 0 : i32
    %dma_wait3A_131 = tpu.memref_slice %dma_wait3A_128[%dma_wait3A_129, %dma_wait3A_130] : memref<200x128xf32, #tpu.memory_space<hbm>> -> memref<100x64xf32, #tpu.memory_space<hbm>>
    tpu.wait_dma2 semaphore(%arg8 : memref<!tpu.dma_semaphore, #tpu.memory_space<semaphore_mem>>) src(%dma_wait3A_131 : memref<100x64xf32, #tpu.memory_space<hbm>>) dst(%dma_wait3A_124 : memref<100x64xf32, #tpu.memory_space<vmem>>)
    %dma_wait3A_132 = arith.constant 0 : i32
    %dma_wait3A_133 = arith.constant 0 : i32
    %dma_wait3A_134 = arith.constant 0 : i32
    %dma_wait3A_135 = arith.constant 0 : i32
    %dma_wait3A_136 = arith.constant 0 : i32
    %dma_wait3A_137 = arith.constant 0 : i32
    %dma_wait3A_138 = tpu.memref_slice %arg6[%dma_wait3A_133, %dma_wait3A_135, %dma_wait3A_136, %dma_wait3A_137] : memref<2x2x200x64xf32, #tpu.memory_space<vmem>> -> memref<1x2x200x64xf32, #tpu.memory_space<vmem>>
    %dma_wait3A_139 = tpu.memref_squeeze %dma_wait3A_138 : memref<1x2x200x64xf32, #tpu.memory_space<vmem>> -> memref<2x200x64xf32, #tpu.memory_space<vmem>>
    %dma_wait3A_140 = arith.constant 0 : i32
    %dma_wait3A_141 = arith.constant 0 : i32
    %dma_wait3A_142 = tpu.memref_slice %dma_wait3A_139[%dma_wait3A_134, %dma_wait3A_140, %dma_wait3A_141] : memref<2x200x64xf32, #tpu.memory_space<vmem>> -> memref<1x200x64xf32, #tpu.memory_space<vmem>>
    %dma_wait3A_143 = tpu.memref_squeeze %dma_wait3A_142 : memref<1x200x64xf32, #tpu.memory_space<vmem>> -> memref<200x64xf32, #tpu.memory_space<vmem>>
    %dma_wait3A_144 = arith.constant 0 : i32
    %dma_wait3A_145 = arith.constant 0 : i32
    %dma_wait3A_146 = tpu.memref_slice %dma_wait3A_143[%dma_wait3A_144, %dma_wait3A_145] : memref<200x64xf32, #tpu.memory_space<vmem>> -> memref<100x64xf32, #tpu.memory_space<vmem>>
    %dma_wait3A_147 = arith.constant 0 : i32
    %dma_wait3A_148 = arith.constant 0 : i32
    %dma_wait3A_149 = tpu.memref_slice %arg4[%dma_wait3A_132, %dma_wait3A_147, %dma_wait3A_148] : memref<4096x200x128xf32, #tpu.memory_space<hbm>> -> memref<1x200x128xf32, #tpu.memory_space<hbm>>
    %dma_wait3A_150 = tpu.memref_squeeze %dma_wait3A_149 : memref<1x200x128xf32, #tpu.memory_space<hbm>> -> memref<200x128xf32, #tpu.memory_space<hbm>>
    %dma_wait3A_151 = arith.constant 0 : i32
    %dma_wait3A_152 = arith.constant 0 : i32
    %dma_wait3A_153 = tpu.memref_slice %dma_wait3A_150[%dma_wait3A_151, %dma_wait3A_152] : memref<200x128xf32, #tpu.memory_space<hbm>> -> memref<100x64xf32, #tpu.memory_space<hbm>>
    %dma_wait3A_154 = arith.constant 0 : i32
    %dma_wait3A_155 = arith.constant 0 : i32
    %dma_wait3A_156 = arith.constant 0 : i32
    %dma_wait3A_157 = tpu.memref_slice %arg6[%dma_wait3A_133, %dma_wait3A_154, %dma_wait3A_155, %dma_wait3A_156] : memref<2x2x200x64xf32, #tpu.memory_space<vmem>> -> memref<1x2x200x64xf32, #tpu.memory_space<vmem>>
    %dma_wait3A_158 = tpu.memref_squeeze %dma_wait3A_157 : memref<1x2x200x64xf32, #tpu.memory_space<vmem>> -> memref<2x200x64xf32, #tpu.memory_space<vmem>>
    %dma_wait3A_159 = arith.constant 0 : i32
    %dma_wait3A_160 = arith.constant 0 : i32
    %dma_wait3A_161 = tpu.memref_slice %dma_wait3A_158[%dma_wait3A_134, %dma_wait3A_159, %dma_wait3A_160] : memref<2x200x64xf32, #tpu.memory_space<vmem>> -> memref<1x200x64xf32, #tpu.memory_space<vmem>>
    %dma_wait3A_162 = tpu.memref_squeeze %dma_wait3A_161 : memref<1x200x64xf32, #tpu.memory_space<vmem>> -> memref<200x64xf32, #tpu.memory_space<vmem>>
    %dma_wait3A_163 = arith.constant 0 : i32
    %dma_wait3A_164 = arith.constant 0 : i32
    %dma_wait3A_165 = tpu.memref_slice %dma_wait3A_162[%dma_wait3A_163, %dma_wait3A_164] : memref<200x64xf32, #tpu.memory_space<vmem>> -> memref<100x64xf32, #tpu.memory_space<vmem>>
    %dma_wait3A_166 = arith.constant 0 : i32
    %dma_wait3A_167 = arith.constant 0 : i32
    %dma_wait3A_168 = tpu.memref_slice %arg4[%dma_wait3A_132, %dma_wait3A_166, %dma_wait3A_167] : memref<4096x200x128xf32, #tpu.memory_space<hbm>> -> memref<1x200x128xf32, #tpu.memory_space<hbm>>
    %dma_wait3A_169 = tpu.memref_squeeze %dma_wait3A_168 : memref<1x200x128xf32, #tpu.memory_space<hbm>> -> memref<200x128xf32, #tpu.memory_space<hbm>>
    %dma_wait3A_170 = arith.constant 0 : i32
    %dma_wait3A_171 = arith.constant 0 : i32
    %dma_wait3A_172 = tpu.memref_slice %dma_wait3A_169[%dma_wait3A_170, %dma_wait3A_171] : memref<200x128xf32, #tpu.memory_space<hbm>> -> memref<100x64xf32, #tpu.memory_space<hbm>>
    tpu.wait_dma2 semaphore(%arg8 : memref<!tpu.dma_semaphore, #tpu.memory_space<semaphore_mem>>) src(%dma_wait3A_172 : memref<100x64xf32, #tpu.memory_space<hbm>>) dst(%dma_wait3A_165 : memref<100x64xf32, #tpu.memory_space<vmem>>)
    %dma_wait3A_173 = arith.constant 0 : i32
    %dma_wait3A_174 = arith.constant 0 : i32
    %dma_wait3A_175 = arith.constant 0 : i32
    %dma_wait3A_176 = arith.constant 0 : i32
    %dma_wait3A_177 = arith.constant 0 : i32
    %dma_wait3A_178 = arith.constant 0 : i32
    %dma_wait3A_179 = tpu.memref_slice %arg6[%dma_wait3A_174, %dma_wait3A_176, %dma_wait3A_177, %dma_wait3A_178] : memref<2x2x200x64xf32, #tpu.memory_space<vmem>> -> memref<1x2x200x64xf32, #tpu.memory_space<vmem>>
    %dma_wait3A_180 = tpu.memref_squeeze %dma_wait3A_179 : memref<1x2x200x64xf32, #tpu.memory_space<vmem>> -> memref<2x200x64xf32, #tpu.memory_space<vmem>>
    %dma_wait3A_181 = arith.constant 0 : i32
    %dma_wait3A_182 = arith.constant 0 : i32
    %dma_wait3A_183 = tpu.memref_slice %dma_wait3A_180[%dma_wait3A_175, %dma_wait3A_181, %dma_wait3A_182] : memref<2x200x64xf32, #tpu.memory_space<vmem>> -> memref<1x200x64xf32, #tpu.memory_space<vmem>>
    %dma_wait3A_184 = tpu.memref_squeeze %dma_wait3A_183 : memref<1x200x64xf32, #tpu.memory_space<vmem>> -> memref<200x64xf32, #tpu.memory_space<vmem>>
    %dma_wait3A_185 = arith.constant 0 : i32
    %dma_wait3A_186 = arith.constant 0 : i32
    %dma_wait3A_187 = tpu.memref_slice %dma_wait3A_184[%dma_wait3A_185, %dma_wait3A_186] : memref<200x64xf32, #tpu.memory_space<vmem>> -> memref<100x64xf32, #tpu.memory_space<vmem>>
    %dma_wait3A_188 = arith.constant 0 : i32
    %dma_wait3A_189 = arith.constant 0 : i32
    %dma_wait3A_190 = tpu.memref_slice %arg4[%dma_wait3A_173, %dma_wait3A_188, %dma_wait3A_189] : memref<4096x200x128xf32, #tpu.memory_space<hbm>> -> memref<1x200x128xf32, #tpu.memory_space<hbm>>
    %dma_wait3A_191 = tpu.memref_squeeze %dma_wait3A_190 : memref<1x200x128xf32, #tpu.memory_space<hbm>> -> memref<200x128xf32, #tpu.memory_space<hbm>>
    %dma_wait3A_192 = arith.constant 0 : i32
    %dma_wait3A_193 = arith.constant 0 : i32
    %dma_wait3A_194 = tpu.memref_slice %dma_wait3A_191[%dma_wait3A_192, %dma_wait3A_193] : memref<200x128xf32, #tpu.memory_space<hbm>> -> memref<100x64xf32, #tpu.memory_space<hbm>>
    %dma_wait3A_195 = arith.constant 0 : i32
    %dma_wait3A_196 = arith.constant 0 : i32
    %dma_wait3A_197 = arith.constant 0 : i32
    %dma_wait3A_198 = tpu.memref_slice %arg6[%dma_wait3A_174, %dma_wait3A_195, %dma_wait3A_196, %dma_wait3A_197] : memref<2x2x200x64xf32, #tpu.memory_space<vmem>> -> memref<1x2x200x64xf32, #tpu.memory_space<vmem>>
    %dma_wait3A_199 = tpu.memref_squeeze %dma_wait3A_198 : memref<1x2x200x64xf32, #tpu.memory_space<vmem>> -> memref<2x200x64xf32, #tpu.memory_space<vmem>>
    %dma_wait3A_200 = arith.constant 0 : i32
    %dma_wait3A_201 = arith.constant 0 : i32
    %dma_wait3A_202 = tpu.memref_slice %dma_wait3A_199[%dma_wait3A_175, %dma_wait3A_200, %dma_wait3A_201] : memref<2x200x64xf32, #tpu.memory_space<vmem>> -> memref<1x200x64xf32, #tpu.memory_space<vmem>>
    %dma_wait3A_203 = tpu.memref_squeeze %dma_wait3A_202 : memref<1x200x64xf32, #tpu.memory_space<vmem>> -> memref<200x64xf32, #tpu.memory_space<vmem>>
    %dma_wait3A_204 = arith.constant 0 : i32
    %dma_wait3A_205 = arith.constant 0 : i32
    %dma_wait3A_206 = tpu.memref_slice %dma_wait3A_203[%dma_wait3A_204, %dma_wait3A_205] : memref<200x64xf32, #tpu.memory_space<vmem>> -> memref<100x64xf32, #tpu.memory_space<vmem>>
    %dma_wait3A_207 = arith.constant 0 : i32
    %dma_wait3A_208 = arith.constant 0 : i32
    %dma_wait3A_209 = tpu.memref_slice %arg4[%dma_wait3A_173, %dma_wait3A_207, %dma_wait3A_208] : memref<4096x200x128xf32, #tpu.memory_space<hbm>> -> memref<1x200x128xf32, #tpu.memory_space<hbm>>
    %dma_wait3A_210 = tpu.memref_squeeze %dma_wait3A_209 : memref<1x200x128xf32, #tpu.memory_space<hbm>> -> memref<200x128xf32, #tpu.memory_space<hbm>>
    %dma_wait3A_211 = arith.constant 0 : i32
    %dma_wait3A_212 = arith.constant 0 : i32
    %dma_wait3A_213 = tpu.memref_slice %dma_wait3A_210[%dma_wait3A_211, %dma_wait3A_212] : memref<200x128xf32, #tpu.memory_space<hbm>> -> memref<100x64xf32, #tpu.memory_space<hbm>>
    tpu.wait_dma2 semaphore(%arg8 : memref<!tpu.dma_semaphore, #tpu.memory_space<semaphore_mem>>) src(%dma_wait3A_213 : memref<100x64xf32, #tpu.memory_space<hbm>>) dst(%dma_wait3A_206 : memref<100x64xf32, #tpu.memory_space<vmem>>)
    %dma_wait3A_214 = arith.constant 0 : i32
    %dma_wait3A_215 = arith.constant 0 : i32
    %dma_wait3A_216 = arith.constant 0 : i32
    %dma_wait3A_217 = arith.constant 0 : i32
    %dma_wait3A_218 = arith.constant 0 : i32
    %dma_wait3A_219 = arith.constant 0 : i32
    %dma_wait3A_220 = tpu.memref_slice %arg6[%dma_wait3A_215, %dma_wait3A_217, %dma_wait3A_218, %dma_wait3A_219] : memref<2x2x200x64xf32, #tpu.memory_space<vmem>> -> memref<1x2x200x64xf32, #tpu.memory_space<vmem>>
    %dma_wait3A_221 = tpu.memref_squeeze %dma_wait3A_220 : memref<1x2x200x64xf32, #tpu.memory_space<vmem>> -> memref<2x200x64xf32, #tpu.memory_space<vmem>>
    %dma_wait3A_222 = arith.constant 0 : i32
    %dma_wait3A_223 = arith.constant 0 : i32
    %dma_wait3A_224 = tpu.memref_slice %dma_wait3A_221[%dma_wait3A_216, %dma_wait3A_222, %dma_wait3A_223] : memref<2x200x64xf32, #tpu.memory_space<vmem>> -> memref<1x200x64xf32, #tpu.memory_space<vmem>>
    %dma_wait3A_225 = tpu.memref_squeeze %dma_wait3A_224 : memref<1x200x64xf32, #tpu.memory_space<vmem>> -> memref<200x64xf32, #tpu.memory_space<vmem>>
    %dma_wait3A_226 = arith.constant 0 : i32
    %dma_wait3A_227 = arith.constant 0 : i32
    %dma_wait3A_228 = tpu.memref_slice %dma_wait3A_225[%dma_wait3A_226, %dma_wait3A_227] : memref<200x64xf32, #tpu.memory_space<vmem>> -> memref<100x64xf32, #tpu.memory_space<vmem>>
    %dma_wait3A_229 = arith.constant 0 : i32
    %dma_wait3A_230 = arith.constant 0 : i32
    %dma_wait3A_231 = tpu.memref_slice %arg4[%dma_wait3A_214, %dma_wait3A_229, %dma_wait3A_230] : memref<4096x200x128xf32, #tpu.memory_space<hbm>> -> memref<1x200x128xf32, #tpu.memory_space<hbm>>
    %dma_wait3A_232 = tpu.memref_squeeze %dma_wait3A_231 : memref<1x200x128xf32, #tpu.memory_space<hbm>> -> memref<200x128xf32, #tpu.memory_space<hbm>>
    %dma_wait3A_233 = arith.constant 0 : i32
    %dma_wait3A_234 = arith.constant 0 : i32
    %dma_wait3A_235 = tpu.memref_slice %dma_wait3A_232[%dma_wait3A_233, %dma_wait3A_234] : memref<200x128xf32, #tpu.memory_space<hbm>> -> memref<100x64xf32, #tpu.memory_space<hbm>>
    %dma_wait3A_236 = arith.constant 0 : i32
    %dma_wait3A_237 = arith.constant 0 : i32
    %dma_wait3A_238 = arith.constant 0 : i32
    %dma_wait3A_239 = tpu.memref_slice %arg6[%dma_wait3A_215, %dma_wait3A_236, %dma_wait3A_237, %dma_wait3A_238] : memref<2x2x200x64xf32, #tpu.memory_space<vmem>> -> memref<1x2x200x64xf32, #tpu.memory_space<vmem>>
    %dma_wait3A_240 = tpu.memref_squeeze %dma_wait3A_239 : memref<1x2x200x64xf32, #tpu.memory_space<vmem>> -> memref<2x200x64xf32, #tpu.memory_space<vmem>>
    %dma_wait3A_241 = arith.constant 0 : i32
    %dma_wait3A_242 = arith.constant 0 : i32
    %dma_wait3A_243 = tpu.memref_slice %dma_wait3A_240[%dma_wait3A_216, %dma_wait3A_241, %dma_wait3A_242] : memref<2x200x64xf32, #tpu.memory_space<vmem>> -> memref<1x200x64xf32, #tpu.memory_space<vmem>>
    %dma_wait3A_244 = tpu.memref_squeeze %dma_wait3A_243 : memref<1x200x64xf32, #tpu.memory_space<vmem>> -> memref<200x64xf32, #tpu.memory_space<vmem>>
    %dma_wait3A_245 = arith.constant 0 : i32
    %dma_wait3A_246 = arith.constant 0 : i32
    %dma_wait3A_247 = tpu.memref_slice %dma_wait3A_244[%dma_wait3A_245, %dma_wait3A_246] : memref<200x64xf32, #tpu.memory_space<vmem>> -> memref<100x64xf32, #tpu.memory_space<vmem>>
    %dma_wait3A_248 = arith.constant 0 : i32
    %dma_wait3A_249 = arith.constant 0 : i32
    %dma_wait3A_250 = tpu.memref_slice %arg4[%dma_wait3A_214, %dma_wait3A_248, %dma_wait3A_249] : memref<4096x200x128xf32, #tpu.memory_space<hbm>> -> memref<1x200x128xf32, #tpu.memory_space<hbm>>
    %dma_wait3A_251 = tpu.memref_squeeze %dma_wait3A_250 : memref<1x200x128xf32, #tpu.memory_space<hbm>> -> memref<200x128xf32, #tpu.memory_space<hbm>>
    %dma_wait3A_252 = arith.constant 0 : i32
    %dma_wait3A_253 = arith.constant 0 : i32
    %dma_wait3A_254 = tpu.memref_slice %dma_wait3A_251[%dma_wait3A_252, %dma_wait3A_253] : memref<200x128xf32, #tpu.memory_space<hbm>> -> memref<100x64xf32, #tpu.memory_space<hbm>>
    tpu.wait_dma2 semaphore(%arg8 : memref<!tpu.dma_semaphore, #tpu.memory_space<semaphore_mem>>) src(%dma_wait3A_254 : memref<100x64xf32, #tpu.memory_space<hbm>>) dst(%dma_wait3A_247 : memref<100x64xf32, #tpu.memory_space<vmem>>)
    %add3A_255 = arith.constant 0 : i32
    %add3A_256 = arith.addi %mul3A_2, %add3A_255 : i32
    %dma_start3A_257 = arith.constant 0 : i32
    %dma_start3A_258 = arith.constant 0 : i32
    %dma_start3A_259 = arith.constant 0 : i32
    %dma_start3A_260 = arith.constant 0 : i32
    %dma_start3A_261 = tpu.memref_slice %arg6[%dma_start3A_257, %dma_start3A_258, %dma_start3A_259, %dma_start3A_260] : memref<2x2x200x64xf32, #tpu.memory_space<vmem>> -> memref<1x2x200x64xf32, #tpu.memory_space<vmem>>
    %dma_start3A_262 = tpu.memref_squeeze %dma_start3A_261 : memref<1x2x200x64xf32, #tpu.memory_space<vmem>> -> memref<2x200x64xf32, #tpu.memory_space<vmem>>
    %dma_start3A_263 = arith.constant 0 : i32
    %dma_start3A_264 = arith.constant 0 : i32
    %dma_start3A_265 = tpu.memref_slice %arg4[%add3A_256, %dma_start3A_263, %dma_start3A_264] : memref<4096x200x128xf32, #tpu.memory_space<hbm>> -> memref<2x200x64xf32, #tpu.memory_space<hbm>>
    %dma_start3A_266 = arith.constant 0 : i32
    %dma_start3A_267 = arith.constant 0 : i32
    %dma_start3A_268 = tpu.memref_slice %arg4[%add3A_256, %dma_start3A_266, %dma_start3A_267] : memref<4096x200x128xf32, #tpu.memory_space<hbm>> -> memref<2x200x64xf32, #tpu.memory_space<hbm>>
    %dma_start3A_269 = arith.constant 0 : i32
    %dma_start3A_270 = arith.constant 0 : i32
    %dma_start3A_271 = arith.constant 0 : i32
    %dma_start3A_272 = tpu.memref_slice %arg6[%dma_start3A_257, %dma_start3A_269, %dma_start3A_270, %dma_start3A_271] : memref<2x2x200x64xf32, #tpu.memory_space<vmem>> -> memref<1x2x200x64xf32, #tpu.memory_space<vmem>>
    %dma_start3A_273 = tpu.memref_squeeze %dma_start3A_272 : memref<1x2x200x64xf32, #tpu.memory_space<vmem>> -> memref<2x200x64xf32, #tpu.memory_space<vmem>>
    tpu.enqueue_dma source(%dma_start3A_273 : memref<2x200x64xf32, #tpu.memory_space<vmem>>) target(%dma_start3A_268 : memref<2x200x64xf32, #tpu.memory_space<hbm>>) target_semaphore(%arg10 : memref<!tpu.dma_semaphore, #tpu.memory_space<semaphore_mem>>)
    %dma_start3A_274 = arith.constant 4 : i32
    %dma_start3A_275 = arith.constant 1 : i32
    %dma_start3A_276 = arith.constant 0 : i32
    %dma_start3A_277 = arith.constant 0 : i32
    %dma_start3A_278 = arith.constant 0 : i32
    %dma_start3A_279 = arith.constant 0 : i32
    %dma_start3A_280 = tpu.memref_slice %arg6[%dma_start3A_275, %dma_start3A_277, %dma_start3A_278, %dma_start3A_279] : memref<2x2x200x64xf32, #tpu.memory_space<vmem>> -> memref<1x2x200x64xf32, #tpu.memory_space<vmem>>
    %dma_start3A_281 = tpu.memref_squeeze %dma_start3A_280 : memref<1x2x200x64xf32, #tpu.memory_space<vmem>> -> memref<2x200x64xf32, #tpu.memory_space<vmem>>
    %dma_start3A_282 = arith.constant 0 : i32
    %dma_start3A_283 = arith.constant 0 : i32
    %dma_start3A_284 = tpu.memref_slice %dma_start3A_281[%dma_start3A_276, %dma_start3A_282, %dma_start3A_283] : memref<2x200x64xf32, #tpu.memory_space<vmem>> -> memref<1x200x64xf32, #tpu.memory_space<vmem>>
    %dma_start3A_285 = tpu.memref_squeeze %dma_start3A_284 : memref<1x200x64xf32, #tpu.memory_space<vmem>> -> memref<200x64xf32, #tpu.memory_space<vmem>>
    %dma_start3A_286 = arith.constant 0 : i32
    %dma_start3A_287 = arith.constant 0 : i32
    %dma_start3A_288 = tpu.memref_slice %dma_start3A_285[%dma_start3A_286, %dma_start3A_287] : memref<200x64xf32, #tpu.memory_space<vmem>> -> memref<100x64xf32, #tpu.memory_space<vmem>>
    %dma_start3A_289 = arith.constant 0 : i32
    %dma_start3A_290 = tpu.memref_slice %arg5[%dma_start3A_274, %dma_start3A_289] : memref<256x100xi32, #tpu.memory_space<vmem>> -> memref<1x100xi32, #tpu.memory_space<vmem>>
    %dma_start3A_291 = tpu.memref_squeeze %dma_start3A_290 : memref<1x100xi32, #tpu.memory_space<vmem>> -> memref<100xi32, #tpu.memory_space<vmem>>
    %dma_start3A_292 = arith.constant 0 : i32
    %dma_start3A_293 = arith.constant 0 : i32
    %dma_start3A_294 = tpu.memref_slice %arg7[%dma_start3A_292, %dma_start3A_293] : memref<1001x64xf32, #tpu.memory_space<vmem_shared>> -> memref<1001x64xf32, #tpu.memory_space<vmem_shared>>
    tpu.enqueue_indirect_dma source(%dma_start3A_294 : memref<1001x64xf32, #tpu.memory_space<vmem_shared>>) target(%dma_start3A_288 : memref<100x64xf32, #tpu.memory_space<vmem>>) offsets(%dma_start3A_291 : memref<100xi32, #tpu.memory_space<vmem>>) semaphore(%arg9 : memref<!tpu.dma_semaphore, #tpu.memory_space<semaphore_mem>>)
    %dma_start3A_295 = arith.constant 5 : i32
    %dma_start3A_296 = arith.constant 1 : i32
    %dma_start3A_297 = arith.constant 0 : i32
    %dma_start3A_298 = arith.constant 0 : i32
    %dma_start3A_299 = arith.constant 0 : i32
    %dma_start3A_300 = arith.constant 0 : i32
    %dma_start3A_301 = tpu.memref_slice %arg6[%dma_start3A_296, %dma_start3A_298, %dma_start3A_299, %dma_start3A_300] : memref<2x2x200x64xf32, #tpu.memory_space<vmem>> -> memref<1x2x200x64xf32, #tpu.memory_space<vmem>>
    %dma_start3A_302 = tpu.memref_squeeze %dma_start3A_301 : memref<1x2x200x64xf32, #tpu.memory_space<vmem>> -> memref<2x200x64xf32, #tpu.memory_space<vmem>>
    %dma_start3A_303 = arith.constant 0 : i32
    %dma_start3A_304 = arith.constant 0 : i32
    %dma_start3A_305 = tpu.memref_slice %dma_start3A_302[%dma_start3A_297, %dma_start3A_303, %dma_start3A_304] : memref<2x200x64xf32, #tpu.memory_space<vmem>> -> memref<1x200x64xf32, #tpu.memory_space<vmem>>
    %dma_start3A_306 = tpu.memref_squeeze %dma_start3A_305 : memref<1x200x64xf32, #tpu.memory_space<vmem>> -> memref<200x64xf32, #tpu.memory_space<vmem>>
    %dma_start3A_307 = arith.constant 100 : i32
    %dma_start3A_308 = arith.constant 0 : i32
    %dma_start3A_309 = tpu.memref_slice %dma_start3A_306[%dma_start3A_307, %dma_start3A_308] : memref<200x64xf32, #tpu.memory_space<vmem>> -> memref<100x64xf32, #tpu.memory_space<vmem>>
    %dma_start3A_310 = arith.constant 0 : i32
    %dma_start3A_311 = tpu.memref_slice %arg5[%dma_start3A_295, %dma_start3A_310] : memref<256x100xi32, #tpu.memory_space<vmem>> -> memref<1x100xi32, #tpu.memory_space<vmem>>
    %dma_start3A_312 = tpu.memref_squeeze %dma_start3A_311 : memref<1x100xi32, #tpu.memory_space<vmem>> -> memref<100xi32, #tpu.memory_space<vmem>>
    %dma_start3A_313 = arith.constant 0 : i32
    %dma_start3A_314 = arith.constant 0 : i32
    %dma_start3A_315 = tpu.memref_slice %arg7[%dma_start3A_313, %dma_start3A_314] : memref<1001x64xf32, #tpu.memory_space<vmem_shared>> -> memref<1001x64xf32, #tpu.memory_space<vmem_shared>>
    tpu.enqueue_indirect_dma source(%dma_start3A_315 : memref<1001x64xf32, #tpu.memory_space<vmem_shared>>) target(%dma_start3A_309 : memref<100x64xf32, #tpu.memory_space<vmem>>) offsets(%dma_start3A_312 : memref<100xi32, #tpu.memory_space<vmem>>) semaphore(%arg9 : memref<!tpu.dma_semaphore, #tpu.memory_space<semaphore_mem>>)
    %dma_start3A_316 = arith.constant 6 : i32
    %dma_start3A_317 = arith.constant 1 : i32
    %dma_start3A_318 = arith.constant 1 : i32
    %dma_start3A_319 = arith.constant 0 : i32
    %dma_start3A_320 = arith.constant 0 : i32
    %dma_start3A_321 = arith.constant 0 : i32
    %dma_start3A_322 = tpu.memref_slice %arg6[%dma_start3A_317, %dma_start3A_319, %dma_start3A_320, %dma_start3A_321] : memref<2x2x200x64xf32, #tpu.memory_space<vmem>> -> memref<1x2x200x64xf32, #tpu.memory_space<vmem>>
    %dma_start3A_323 = tpu.memref_squeeze %dma_start3A_322 : memref<1x2x200x64xf32, #tpu.memory_space<vmem>> -> memref<2x200x64xf32, #tpu.memory_space<vmem>>
    %dma_start3A_324 = arith.constant 0 : i32
    %dma_start3A_325 = arith.constant 0 : i32
    %dma_start3A_326 = tpu.memref_slice %dma_start3A_323[%dma_start3A_318, %dma_start3A_324, %dma_start3A_325] : memref<2x200x64xf32, #tpu.memory_space<vmem>> -> memref<1x200x64xf32, #tpu.memory_space<vmem>>
    %dma_start3A_327 = tpu.memref_squeeze %dma_start3A_326 : memref<1x200x64xf32, #tpu.memory_space<vmem>> -> memref<200x64xf32, #tpu.memory_space<vmem>>
    %dma_start3A_328 = arith.constant 0 : i32
    %dma_start3A_329 = arith.constant 0 : i32
    %dma_start3A_330 = tpu.memref_slice %dma_start3A_327[%dma_start3A_328, %dma_start3A_329] : memref<200x64xf32, #tpu.memory_space<vmem>> -> memref<100x64xf32, #tpu.memory_space<vmem>>
    %dma_start3A_331 = arith.constant 0 : i32
    %dma_start3A_332 = tpu.memref_slice %arg5[%dma_start3A_316, %dma_start3A_331] : memref<256x100xi32, #tpu.memory_space<vmem>> -> memref<1x100xi32, #tpu.memory_space<vmem>>
    %dma_start3A_333 = tpu.memref_squeeze %dma_start3A_332 : memref<1x100xi32, #tpu.memory_space<vmem>> -> memref<100xi32, #tpu.memory_space<vmem>>
    %dma_start3A_334 = arith.constant 0 : i32
    %dma_start3A_335 = arith.constant 0 : i32
    %dma_start3A_336 = tpu.memref_slice %arg7[%dma_start3A_334, %dma_start3A_335] : memref<1001x64xf32, #tpu.memory_space<vmem_shared>> -> memref<1001x64xf32, #tpu.memory_space<vmem_shared>>
    tpu.enqueue_indirect_dma source(%dma_start3A_336 : memref<1001x64xf32, #tpu.memory_space<vmem_shared>>) target(%dma_start3A_330 : memref<100x64xf32, #tpu.memory_space<vmem>>) offsets(%dma_start3A_333 : memref<100xi32, #tpu.memory_space<vmem>>) semaphore(%arg9 : memref<!tpu.dma_semaphore, #tpu.memory_space<semaphore_mem>>)
    %dma_start3A_337 = arith.constant 7 : i32
    %dma_start3A_338 = arith.constant 1 : i32
    %dma_start3A_339 = arith.constant 1 : i32
    %dma_start3A_340 = arith.constant 0 : i32
    %dma_start3A_341 = arith.constant 0 : i32
    %dma_start3A_342 = arith.constant 0 : i32
    %dma_start3A_343 = tpu.memref_slice %arg6[%dma_start3A_338, %dma_start3A_340, %dma_start3A_341, %dma_start3A_342] : memref<2x2x200x64xf32, #tpu.memory_space<vmem>> -> memref<1x2x200x64xf32, #tpu.memory_space<vmem>>
    %dma_start3A_344 = tpu.memref_squeeze %dma_start3A_343 : memref<1x2x200x64xf32, #tpu.memory_space<vmem>> -> memref<2x200x64xf32, #tpu.memory_space<vmem>>
    %dma_start3A_345 = arith.constant 0 : i32
    %dma_start3A_346 = arith.constant 0 : i32
    %dma_start3A_347 = tpu.memref_slice %dma_start3A_344[%dma_start3A_339, %dma_start3A_345, %dma_start3A_346] : memref<2x200x64xf32, #tpu.memory_space<vmem>> -> memref<1x200x64xf32, #tpu.memory_space<vmem>>
    %dma_start3A_348 = tpu.memref_squeeze %dma_start3A_347 : memref<1x200x64xf32, #tpu.memory_space<vmem>> -> memref<200x64xf32, #tpu.memory_space<vmem>>
    %dma_start3A_349 = arith.constant 100 : i32
    %dma_start3A_350 = arith.constant 0 : i32
    %dma_start3A_351 = tpu.memref_slice %dma_start3A_348[%dma_start3A_349, %dma_start3A_350] : memref<200x64xf32, #tpu.memory_space<vmem>> -> memref<100x64xf32, #tpu.memory_space<vmem>>
    %dma_start3A_352 = arith.constant 0 : i32
    %dma_start3A_353 = tpu.memref_slice %arg5[%dma_start3A_337, %dma_start3A_352] : memref<256x100xi32, #tpu.memory_space<vmem>> -> memref<1x100xi32, #tpu.memory_space<vmem>>
    %dma_start3A_354 = tpu.memref_squeeze %dma_start3A_353 : memref<1x100xi32, #tpu.memory_space<vmem>> -> memref<100xi32, #tpu.memory_space<vmem>>
    %dma_start3A_355 = arith.constant 0 : i32
    %dma_start3A_356 = arith.constant 0 : i32
    %dma_start3A_357 = tpu.memref_slice %arg7[%dma_start3A_355, %dma_start3A_356] : memref<1001x64xf32, #tpu.memory_space<vmem_shared>> -> memref<1001x64xf32, #tpu.memory_space<vmem_shared>>
    tpu.enqueue_indirect_dma source(%dma_start3A_357 : memref<1001x64xf32, #tpu.memory_space<vmem_shared>>) target(%dma_start3A_351 : memref<100x64xf32, #tpu.memory_space<vmem>>) offsets(%dma_start3A_354 : memref<100xi32, #tpu.memory_space<vmem>>) semaphore(%arg9 : memref<!tpu.dma_semaphore, #tpu.memory_space<semaphore_mem>>)
    %scan3A = arith.constant 0 : i32
    %scan3A_358 = arith.constant 1 : i32
    %scan3A_359 = arith.constant 31 : i32
    %scan3A_360 = arith.addi %scan3A_358, %scan3A_359 : i32
    %scan3A_361 = arith.constant 1 : i32
    scf.for %scan3A_584 = %scan3A_358 to %scan3A_360 step %scan3A_361  : i32 {
      %mul3A_585 = arith.constant 2 : i32
      %mul3A_586 = arith.muli %mul3A_585, %scan3A_584 : i32
      %dma_wait3A_587 = arith.constant 0 : i32
      %dma_wait3A_588 = arith.constant 1 : i32
      %dma_wait3A_589 = arith.constant 0 : i32
      %dma_wait3A_590 = arith.constant 0 : i32
      %dma_wait3A_591 = arith.constant 0 : i32
      %dma_wait3A_592 = arith.constant 0 : i32
      %dma_wait3A_593 = tpu.memref_slice %arg6[%dma_wait3A_588, %dma_wait3A_590, %dma_wait3A_591, %dma_wait3A_592] : memref<2x2x200x64xf32, #tpu.memory_space<vmem>> -> memref<1x2x200x64xf32, #tpu.memory_space<vmem>>
      %dma_wait3A_594 = tpu.memref_squeeze %dma_wait3A_593 : memref<1x2x200x64xf32, #tpu.memory_space<vmem>> -> memref<2x200x64xf32, #tpu.memory_space<vmem>>
      %dma_wait3A_595 = arith.constant 0 : i32
      %dma_wait3A_596 = arith.constant 0 : i32
      %dma_wait3A_597 = tpu.memref_slice %dma_wait3A_594[%dma_wait3A_589, %dma_wait3A_595, %dma_wait3A_596] : memref<2x200x64xf32, #tpu.memory_space<vmem>> -> memref<1x200x64xf32, #tpu.memory_space<vmem>>
      %dma_wait3A_598 = tpu.memref_squeeze %dma_wait3A_597 : memref<1x200x64xf32, #tpu.memory_space<vmem>> -> memref<200x64xf32, #tpu.memory_space<vmem>>
      %dma_wait3A_599 = arith.constant 0 : i32
      %dma_wait3A_600 = arith.constant 0 : i32
      %dma_wait3A_601 = tpu.memref_slice %dma_wait3A_598[%dma_wait3A_599, %dma_wait3A_600] : memref<200x64xf32, #tpu.memory_space<vmem>> -> memref<100x64xf32, #tpu.memory_space<vmem>>
      %dma_wait3A_602 = arith.constant 0 : i32
      %dma_wait3A_603 = arith.constant 0 : i32
      %dma_wait3A_604 = tpu.memref_slice %arg4[%dma_wait3A_587, %dma_wait3A_602, %dma_wait3A_603] : memref<4096x200x128xf32, #tpu.memory_space<hbm>> -> memref<1x200x128xf32, #tpu.memory_space<hbm>>
      %dma_wait3A_605 = tpu.memref_squeeze %dma_wait3A_604 : memref<1x200x128xf32, #tpu.memory_space<hbm>> -> memref<200x128xf32, #tpu.memory_space<hbm>>
      %dma_wait3A_606 = arith.constant 0 : i32
      %dma_wait3A_607 = arith.constant 0 : i32
      %dma_wait3A_608 = tpu.memref_slice %dma_wait3A_605[%dma_wait3A_606, %dma_wait3A_607] : memref<200x128xf32, #tpu.memory_space<hbm>> -> memref<100x64xf32, #tpu.memory_space<hbm>>
      %dma_wait3A_609 = arith.constant 0 : i32
      %dma_wait3A_610 = arith.constant 0 : i32
      %dma_wait3A_611 = arith.constant 0 : i32
      %dma_wait3A_612 = tpu.memref_slice %arg6[%dma_wait3A_588, %dma_wait3A_609, %dma_wait3A_610, %dma_wait3A_611] : memref<2x2x200x64xf32, #tpu.memory_space<vmem>> -> memref<1x2x200x64xf32, #tpu.memory_space<vmem>>
      %dma_wait3A_613 = tpu.memref_squeeze %dma_wait3A_612 : memref<1x2x200x64xf32, #tpu.memory_space<vmem>> -> memref<2x200x64xf32, #tpu.memory_space<vmem>>
      %dma_wait3A_614 = arith.constant 0 : i32
      %dma_wait3A_615 = arith.constant 0 : i32
      %dma_wait3A_616 = tpu.memref_slice %dma_wait3A_613[%dma_wait3A_589, %dma_wait3A_614, %dma_wait3A_615] : memref<2x200x64xf32, #tpu.memory_space<vmem>> -> memref<1x200x64xf32, #tpu.memory_space<vmem>>
      %dma_wait3A_617 = tpu.memref_squeeze %dma_wait3A_616 : memref<1x200x64xf32, #tpu.memory_space<vmem>> -> memref<200x64xf32, #tpu.memory_space<vmem>>
      %dma_wait3A_618 = arith.constant 0 : i32
      %dma_wait3A_619 = arith.constant 0 : i32
      %dma_wait3A_620 = tpu.memref_slice %dma_wait3A_617[%dma_wait3A_618, %dma_wait3A_619] : memref<200x64xf32, #tpu.memory_space<vmem>> -> memref<100x64xf32, #tpu.memory_space<vmem>>
      %dma_wait3A_621 = arith.constant 0 : i32
      %dma_wait3A_622 = arith.constant 0 : i32
      %dma_wait3A_623 = tpu.memref_slice %arg4[%dma_wait3A_587, %dma_wait3A_621, %dma_wait3A_622] : memref<4096x200x128xf32, #tpu.memory_space<hbm>> -> memref<1x200x128xf32, #tpu.memory_space<hbm>>
      %dma_wait3A_624 = tpu.memref_squeeze %dma_wait3A_623 : memref<1x200x128xf32, #tpu.memory_space<hbm>> -> memref<200x128xf32, #tpu.memory_space<hbm>>
      %dma_wait3A_625 = arith.constant 0 : i32
      %dma_wait3A_626 = arith.constant 0 : i32
      %dma_wait3A_627 = tpu.memref_slice %dma_wait3A_624[%dma_wait3A_625, %dma_wait3A_626] : memref<200x128xf32, #tpu.memory_space<hbm>> -> memref<100x64xf32, #tpu.memory_space<hbm>>
      tpu.wait_dma2 semaphore(%arg9 : memref<!tpu.dma_semaphore, #tpu.memory_space<semaphore_mem>>) src(%dma_wait3A_627 : memref<100x64xf32, #tpu.memory_space<hbm>>) dst(%dma_wait3A_620 : memref<100x64xf32, #tpu.memory_space<vmem>>)
      %dma_wait3A_628 = arith.constant 0 : i32
      %dma_wait3A_629 = arith.constant 1 : i32
      %dma_wait3A_630 = arith.constant 0 : i32
      %dma_wait3A_631 = arith.constant 0 : i32
      %dma_wait3A_632 = arith.constant 0 : i32
      %dma_wait3A_633 = arith.constant 0 : i32
      %dma_wait3A_634 = tpu.memref_slice %arg6[%dma_wait3A_629, %dma_wait3A_631, %dma_wait3A_632, %dma_wait3A_633] : memref<2x2x200x64xf32, #tpu.memory_space<vmem>> -> memref<1x2x200x64xf32, #tpu.memory_space<vmem>>
      %dma_wait3A_635 = tpu.memref_squeeze %dma_wait3A_634 : memref<1x2x200x64xf32, #tpu.memory_space<vmem>> -> memref<2x200x64xf32, #tpu.memory_space<vmem>>
      %dma_wait3A_636 = arith.constant 0 : i32
      %dma_wait3A_637 = arith.constant 0 : i32
      %dma_wait3A_638 = tpu.memref_slice %dma_wait3A_635[%dma_wait3A_630, %dma_wait3A_636, %dma_wait3A_637] : memref<2x200x64xf32, #tpu.memory_space<vmem>> -> memref<1x200x64xf32, #tpu.memory_space<vmem>>
      %dma_wait3A_639 = tpu.memref_squeeze %dma_wait3A_638 : memref<1x200x64xf32, #tpu.memory_space<vmem>> -> memref<200x64xf32, #tpu.memory_space<vmem>>
      %dma_wait3A_640 = arith.constant 0 : i32
      %dma_wait3A_641 = arith.constant 0 : i32
      %dma_wait3A_642 = tpu.memref_slice %dma_wait3A_639[%dma_wait3A_640, %dma_wait3A_641] : memref<200x64xf32, #tpu.memory_space<vmem>> -> memref<100x64xf32, #tpu.memory_space<vmem>>
      %dma_wait3A_643 = arith.constant 0 : i32
      %dma_wait3A_644 = arith.constant 0 : i32
      %dma_wait3A_645 = tpu.memref_slice %arg4[%dma_wait3A_628, %dma_wait3A_643, %dma_wait3A_644] : memref<4096x200x128xf32, #tpu.memory_space<hbm>> -> memref<1x200x128xf32, #tpu.memory_space<hbm>>
      %dma_wait3A_646 = tpu.memref_squeeze %dma_wait3A_645 : memref<1x200x128xf32, #tpu.memory_space<hbm>> -> memref<200x128xf32, #tpu.memory_space<hbm>>
      %dma_wait3A_647 = arith.constant 0 : i32
      %dma_wait3A_648 = arith.constant 0 : i32
      %dma_wait3A_649 = tpu.memref_slice %dma_wait3A_646[%dma_wait3A_647, %dma_wait3A_648] : memref<200x128xf32, #tpu.memory_space<hbm>> -> memref<100x64xf32, #tpu.memory_space<hbm>>
      %dma_wait3A_650 = arith.constant 0 : i32
      %dma_wait3A_651 = arith.constant 0 : i32
      %dma_wait3A_652 = arith.constant 0 : i32
      %dma_wait3A_653 = tpu.memref_slice %arg6[%dma_wait3A_629, %dma_wait3A_650, %dma_wait3A_651, %dma_wait3A_652] : memref<2x2x200x64xf32, #tpu.memory_space<vmem>> -> memref<1x2x200x64xf32, #tpu.memory_space<vmem>>
      %dma_wait3A_654 = tpu.memref_squeeze %dma_wait3A_653 : memref<1x2x200x64xf32, #tpu.memory_space<vmem>> -> memref<2x200x64xf32, #tpu.memory_space<vmem>>
      %dma_wait3A_655 = arith.constant 0 : i32
      %dma_wait3A_656 = arith.constant 0 : i32
      %dma_wait3A_657 = tpu.memref_slice %dma_wait3A_654[%dma_wait3A_630, %dma_wait3A_655, %dma_wait3A_656] : memref<2x200x64xf32, #tpu.memory_space<vmem>> -> memref<1x200x64xf32, #tpu.memory_space<vmem>>
      %dma_wait3A_658 = tpu.memref_squeeze %dma_wait3A_657 : memref<1x200x64xf32, #tpu.memory_space<vmem>> -> memref<200x64xf32, #tpu.memory_space<vmem>>
      %dma_wait3A_659 = arith.constant 0 : i32
      %dma_wait3A_660 = arith.constant 0 : i32
      %dma_wait3A_661 = tpu.memref_slice %dma_wait3A_658[%dma_wait3A_659, %dma_wait3A_660] : memref<200x64xf32, #tpu.memory_space<vmem>> -> memref<100x64xf32, #tpu.memory_space<vmem>>
      %dma_wait3A_662 = arith.constant 0 : i32
      %dma_wait3A_663 = arith.constant 0 : i32
      %dma_wait3A_664 = tpu.memref_slice %arg4[%dma_wait3A_628, %dma_wait3A_662, %dma_wait3A_663] : memref<4096x200x128xf32, #tpu.memory_space<hbm>> -> memref<1x200x128xf32, #tpu.memory_space<hbm>>
      %dma_wait3A_665 = tpu.memref_squeeze %dma_wait3A_664 : memref<1x200x128xf32, #tpu.memory_space<hbm>> -> memref<200x128xf32, #tpu.memory_space<hbm>>
      %dma_wait3A_666 = arith.constant 0 : i32
      %dma_wait3A_667 = arith.constant 0 : i32
      %dma_wait3A_668 = tpu.memref_slice %dma_wait3A_665[%dma_wait3A_666, %dma_wait3A_667] : memref<200x128xf32, #tpu.memory_space<hbm>> -> memref<100x64xf32, #tpu.memory_space<hbm>>
      tpu.wait_dma2 semaphore(%arg9 : memref<!tpu.dma_semaphore, #tpu.memory_space<semaphore_mem>>) src(%dma_wait3A_668 : memref<100x64xf32, #tpu.memory_space<hbm>>) dst(%dma_wait3A_661 : memref<100x64xf32, #tpu.memory_space<vmem>>)
      %dma_wait3A_669 = arith.constant 0 : i32
      %dma_wait3A_670 = arith.constant 1 : i32
      %dma_wait3A_671 = arith.constant 0 : i32
      %dma_wait3A_672 = arith.constant 0 : i32
      %dma_wait3A_673 = arith.constant 0 : i32
      %dma_wait3A_674 = arith.constant 0 : i32
      %dma_wait3A_675 = tpu.memref_slice %arg6[%dma_wait3A_670, %dma_wait3A_672, %dma_wait3A_673, %dma_wait3A_674] : memref<2x2x200x64xf32, #tpu.memory_space<vmem>> -> memref<1x2x200x64xf32, #tpu.memory_space<vmem>>
      %dma_wait3A_676 = tpu.memref_squeeze %dma_wait3A_675 : memref<1x2x200x64xf32, #tpu.memory_space<vmem>> -> memref<2x200x64xf32, #tpu.memory_space<vmem>>
      %dma_wait3A_677 = arith.constant 0 : i32
      %dma_wait3A_678 = arith.constant 0 : i32
      %dma_wait3A_679 = tpu.memref_slice %dma_wait3A_676[%dma_wait3A_671, %dma_wait3A_677, %dma_wait3A_678] : memref<2x200x64xf32, #tpu.memory_space<vmem>> -> memref<1x200x64xf32, #tpu.memory_space<vmem>>
      %dma_wait3A_680 = tpu.memref_squeeze %dma_wait3A_679 : memref<1x200x64xf32, #tpu.memory_space<vmem>> -> memref<200x64xf32, #tpu.memory_space<vmem>>
      %dma_wait3A_681 = arith.constant 0 : i32
      %dma_wait3A_682 = arith.constant 0 : i32
      %dma_wait3A_683 = tpu.memref_slice %dma_wait3A_680[%dma_wait3A_681, %dma_wait3A_682] : memref<200x64xf32, #tpu.memory_space<vmem>> -> memref<100x64xf32, #tpu.memory_space<vmem>>
      %dma_wait3A_684 = arith.constant 0 : i32
      %dma_wait3A_685 = arith.constant 0 : i32
      %dma_wait3A_686 = tpu.memref_slice %arg4[%dma_wait3A_669, %dma_wait3A_684, %dma_wait3A_685] : memref<4096x200x128xf32, #tpu.memory_space<hbm>> -> memref<1x200x128xf32, #tpu.memory_space<hbm>>
      %dma_wait3A_687 = tpu.memref_squeeze %dma_wait3A_686 : memref<1x200x128xf32, #tpu.memory_space<hbm>> -> memref<200x128xf32, #tpu.memory_space<hbm>>
      %dma_wait3A_688 = arith.constant 0 : i32
      %dma_wait3A_689 = arith.constant 0 : i32
      %dma_wait3A_690 = tpu.memref_slice %dma_wait3A_687[%dma_wait3A_688, %dma_wait3A_689] : memref<200x128xf32, #tpu.memory_space<hbm>> -> memref<100x64xf32, #tpu.memory_space<hbm>>
      %dma_wait3A_691 = arith.constant 0 : i32
      %dma_wait3A_692 = arith.constant 0 : i32
      %dma_wait3A_693 = arith.constant 0 : i32
      %dma_wait3A_694 = tpu.memref_slice %arg6[%dma_wait3A_670, %dma_wait3A_691, %dma_wait3A_692, %dma_wait3A_693] : memref<2x2x200x64xf32, #tpu.memory_space<vmem>> -> memref<1x2x200x64xf32, #tpu.memory_space<vmem>>
      %dma_wait3A_695 = tpu.memref_squeeze %dma_wait3A_694 : memref<1x2x200x64xf32, #tpu.memory_space<vmem>> -> memref<2x200x64xf32, #tpu.memory_space<vmem>>
      %dma_wait3A_696 = arith.constant 0 : i32
      %dma_wait3A_697 = arith.constant 0 : i32
      %dma_wait3A_698 = tpu.memref_slice %dma_wait3A_695[%dma_wait3A_671, %dma_wait3A_696, %dma_wait3A_697] : memref<2x200x64xf32, #tpu.memory_space<vmem>> -> memref<1x200x64xf32, #tpu.memory_space<vmem>>
      %dma_wait3A_699 = tpu.memref_squeeze %dma_wait3A_698 : memref<1x200x64xf32, #tpu.memory_space<vmem>> -> memref<200x64xf32, #tpu.memory_space<vmem>>
      %dma_wait3A_700 = arith.constant 0 : i32
      %dma_wait3A_701 = arith.constant 0 : i32
      %dma_wait3A_702 = tpu.memref_slice %dma_wait3A_699[%dma_wait3A_700, %dma_wait3A_701] : memref<200x64xf32, #tpu.memory_space<vmem>> -> memref<100x64xf32, #tpu.memory_space<vmem>>
      %dma_wait3A_703 = arith.constant 0 : i32
      %dma_wait3A_704 = arith.constant 0 : i32
      %dma_wait3A_705 = tpu.memref_slice %arg4[%dma_wait3A_669, %dma_wait3A_703, %dma_wait3A_704] : memref<4096x200x128xf32, #tpu.memory_space<hbm>> -> memref<1x200x128xf32, #tpu.memory_space<hbm>>
      %dma_wait3A_706 = tpu.memref_squeeze %dma_wait3A_705 : memref<1x200x128xf32, #tpu.memory_space<hbm>> -> memref<200x128xf32, #tpu.memory_space<hbm>>
      %dma_wait3A_707 = arith.constant 0 : i32
      %dma_wait3A_708 = arith.constant 0 : i32
      %dma_wait3A_709 = tpu.memref_slice %dma_wait3A_706[%dma_wait3A_707, %dma_wait3A_708] : memref<200x128xf32, #tpu.memory_space<hbm>> -> memref<100x64xf32, #tpu.memory_space<hbm>>
      tpu.wait_dma2 semaphore(%arg9 : memref<!tpu.dma_semaphore, #tpu.memory_space<semaphore_mem>>) src(%dma_wait3A_709 : memref<100x64xf32, #tpu.memory_space<hbm>>) dst(%dma_wait3A_702 : memref<100x64xf32, #tpu.memory_space<vmem>>)
      %dma_wait3A_710 = arith.constant 0 : i32
      %dma_wait3A_711 = arith.constant 1 : i32
      %dma_wait3A_712 = arith.constant 0 : i32
      %dma_wait3A_713 = arith.constant 0 : i32
      %dma_wait3A_714 = arith.constant 0 : i32
      %dma_wait3A_715 = arith.constant 0 : i32
      %dma_wait3A_716 = tpu.memref_slice %arg6[%dma_wait3A_711, %dma_wait3A_713, %dma_wait3A_714, %dma_wait3A_715] : memref<2x2x200x64xf32, #tpu.memory_space<vmem>> -> memref<1x2x200x64xf32, #tpu.memory_space<vmem>>
      %dma_wait3A_717 = tpu.memref_squeeze %dma_wait3A_716 : memref<1x2x200x64xf32, #tpu.memory_space<vmem>> -> memref<2x200x64xf32, #tpu.memory_space<vmem>>
      %dma_wait3A_718 = arith.constant 0 : i32
      %dma_wait3A_719 = arith.constant 0 : i32
      %dma_wait3A_720 = tpu.memref_slice %dma_wait3A_717[%dma_wait3A_712, %dma_wait3A_718, %dma_wait3A_719] : memref<2x200x64xf32, #tpu.memory_space<vmem>> -> memref<1x200x64xf32, #tpu.memory_space<vmem>>
      %dma_wait3A_721 = tpu.memref_squeeze %dma_wait3A_720 : memref<1x200x64xf32, #tpu.memory_space<vmem>> -> memref<200x64xf32, #tpu.memory_space<vmem>>
      %dma_wait3A_722 = arith.constant 0 : i32
      %dma_wait3A_723 = arith.constant 0 : i32
      %dma_wait3A_724 = tpu.memref_slice %dma_wait3A_721[%dma_wait3A_722, %dma_wait3A_723] : memref<200x64xf32, #tpu.memory_space<vmem>> -> memref<100x64xf32, #tpu.memory_space<vmem>>
      %dma_wait3A_725 = arith.constant 0 : i32
      %dma_wait3A_726 = arith.constant 0 : i32
      %dma_wait3A_727 = tpu.memref_slice %arg4[%dma_wait3A_710, %dma_wait3A_725, %dma_wait3A_726] : memref<4096x200x128xf32, #tpu.memory_space<hbm>> -> memref<1x200x128xf32, #tpu.memory_space<hbm>>
      %dma_wait3A_728 = tpu.memref_squeeze %dma_wait3A_727 : memref<1x200x128xf32, #tpu.memory_space<hbm>> -> memref<200x128xf32, #tpu.memory_space<hbm>>
      %dma_wait3A_729 = arith.constant 0 : i32
      %dma_wait3A_730 = arith.constant 0 : i32
      %dma_wait3A_731 = tpu.memref_slice %dma_wait3A_728[%dma_wait3A_729, %dma_wait3A_730] : memref<200x128xf32, #tpu.memory_space<hbm>> -> memref<100x64xf32, #tpu.memory_space<hbm>>
      %dma_wait3A_732 = arith.constant 0 : i32
      %dma_wait3A_733 = arith.constant 0 : i32
      %dma_wait3A_734 = arith.constant 0 : i32
      %dma_wait3A_735 = tpu.memref_slice %arg6[%dma_wait3A_711, %dma_wait3A_732, %dma_wait3A_733, %dma_wait3A_734] : memref<2x2x200x64xf32, #tpu.memory_space<vmem>> -> memref<1x2x200x64xf32, #tpu.memory_space<vmem>>
      %dma_wait3A_736 = tpu.memref_squeeze %dma_wait3A_735 : memref<1x2x200x64xf32, #tpu.memory_space<vmem>> -> memref<2x200x64xf32, #tpu.memory_space<vmem>>
      %dma_wait3A_737 = arith.constant 0 : i32
      %dma_wait3A_738 = arith.constant 0 : i32
      %dma_wait3A_739 = tpu.memref_slice %dma_wait3A_736[%dma_wait3A_712, %dma_wait3A_737, %dma_wait3A_738] : memref<2x200x64xf32, #tpu.memory_space<vmem>> -> memref<1x200x64xf32, #tpu.memory_space<vmem>>
      %dma_wait3A_740 = tpu.memref_squeeze %dma_wait3A_739 : memref<1x200x64xf32, #tpu.memory_space<vmem>> -> memref<200x64xf32, #tpu.memory_space<vmem>>
      %dma_wait3A_741 = arith.constant 0 : i32
      %dma_wait3A_742 = arith.constant 0 : i32
      %dma_wait3A_743 = tpu.memref_slice %dma_wait3A_740[%dma_wait3A_741, %dma_wait3A_742] : memref<200x64xf32, #tpu.memory_space<vmem>> -> memref<100x64xf32, #tpu.memory_space<vmem>>
      %dma_wait3A_744 = arith.constant 0 : i32
      %dma_wait3A_745 = arith.constant 0 : i32
      %dma_wait3A_746 = tpu.memref_slice %arg4[%dma_wait3A_710, %dma_wait3A_744, %dma_wait3A_745] : memref<4096x200x128xf32, #tpu.memory_space<hbm>> -> memref<1x200x128xf32, #tpu.memory_space<hbm>>
      %dma_wait3A_747 = tpu.memref_squeeze %dma_wait3A_746 : memref<1x200x128xf32, #tpu.memory_space<hbm>> -> memref<200x128xf32, #tpu.memory_space<hbm>>
      %dma_wait3A_748 = arith.constant 0 : i32
      %dma_wait3A_749 = arith.constant 0 : i32
      %dma_wait3A_750 = tpu.memref_slice %dma_wait3A_747[%dma_wait3A_748, %dma_wait3A_749] : memref<200x128xf32, #tpu.memory_space<hbm>> -> memref<100x64xf32, #tpu.memory_space<hbm>>
      tpu.wait_dma2 semaphore(%arg9 : memref<!tpu.dma_semaphore, #tpu.memory_space<semaphore_mem>>) src(%dma_wait3A_750 : memref<100x64xf32, #tpu.memory_space<hbm>>) dst(%dma_wait3A_743 : memref<100x64xf32, #tpu.memory_space<vmem>>)
      %sub3A = arith.constant 1 : i32
      %sub3A_751 = arith.subi %mul3A_586, %sub3A : i32
      %mul3A_752 = arith.constant 2 : i32
      %mul3A_753 = arith.muli %sub3A_751, %mul3A_752 : i32
      %add3A_754 = arith.addi %mul3A_2, %mul3A_753 : i32
      %dma_start3A_755 = arith.constant 1 : i32
      %dma_start3A_756 = arith.constant 0 : i32
      %dma_start3A_757 = arith.constant 0 : i32
      %dma_start3A_758 = arith.constant 0 : i32
      %dma_start3A_759 = tpu.memref_slice %arg6[%dma_start3A_755, %dma_start3A_756, %dma_start3A_757, %dma_start3A_758] : memref<2x2x200x64xf32, #tpu.memory_space<vmem>> -> memref<1x2x200x64xf32, #tpu.memory_space<vmem>>
      %dma_start3A_760 = tpu.memref_squeeze %dma_start3A_759 : memref<1x2x200x64xf32, #tpu.memory_space<vmem>> -> memref<2x200x64xf32, #tpu.memory_space<vmem>>
      %dma_start3A_761 = arith.constant 0 : i32
      %dma_start3A_762 = arith.constant 0 : i32
      %dma_start3A_763 = tpu.memref_slice %arg4[%add3A_754, %dma_start3A_761, %dma_start3A_762] : memref<4096x200x128xf32, #tpu.memory_space<hbm>> -> memref<2x200x64xf32, #tpu.memory_space<hbm>>
      %dma_start3A_764 = arith.constant 0 : i32
      %dma_start3A_765 = arith.constant 0 : i32
      %dma_start3A_766 = tpu.memref_slice %arg4[%add3A_754, %dma_start3A_764, %dma_start3A_765] : memref<4096x200x128xf32, #tpu.memory_space<hbm>> -> memref<2x200x64xf32, #tpu.memory_space<hbm>>
      %dma_start3A_767 = arith.constant 0 : i32
      %dma_start3A_768 = arith.constant 0 : i32
      %dma_start3A_769 = arith.constant 0 : i32
      %dma_start3A_770 = tpu.memref_slice %arg6[%dma_start3A_755, %dma_start3A_767, %dma_start3A_768, %dma_start3A_769] : memref<2x2x200x64xf32, #tpu.memory_space<vmem>> -> memref<1x2x200x64xf32, #tpu.memory_space<vmem>>
      %dma_start3A_771 = tpu.memref_squeeze %dma_start3A_770 : memref<1x2x200x64xf32, #tpu.memory_space<vmem>> -> memref<2x200x64xf32, #tpu.memory_space<vmem>>
      tpu.enqueue_dma source(%dma_start3A_771 : memref<2x200x64xf32, #tpu.memory_space<vmem>>) target(%dma_start3A_766 : memref<2x200x64xf32, #tpu.memory_space<hbm>>) target_semaphore(%arg11 : memref<!tpu.dma_semaphore, #tpu.memory_space<semaphore_mem>>)
      %dma_wait3A_772 = arith.constant 0 : i32
      %dma_wait3A_773 = arith.constant 0 : i32
      %dma_wait3A_774 = arith.constant 0 : i32
      %dma_wait3A_775 = arith.constant 0 : i32
      %dma_wait3A_776 = tpu.memref_slice %arg6[%dma_wait3A_772, %dma_wait3A_773, %dma_wait3A_774, %dma_wait3A_775] : memref<2x2x200x64xf32, #tpu.memory_space<vmem>> -> memref<1x2x200x64xf32, #tpu.memory_space<vmem>>
      %dma_wait3A_777 = tpu.memref_squeeze %dma_wait3A_776 : memref<1x2x200x64xf32, #tpu.memory_space<vmem>> -> memref<2x200x64xf32, #tpu.memory_space<vmem>>
      %dma_wait3A_778 = arith.constant 0 : i32
      %dma_wait3A_779 = arith.constant 0 : i32
      %dma_wait3A_780 = arith.constant 0 : i32
      %dma_wait3A_781 = tpu.memref_slice %arg4[%dma_wait3A_778, %dma_wait3A_779, %dma_wait3A_780] : memref<4096x200x128xf32, #tpu.memory_space<hbm>> -> memref<2x200x64xf32, #tpu.memory_space<hbm>>
      %dma_wait3A_782 = arith.constant 0 : i32
      %dma_wait3A_783 = arith.constant 0 : i32
      %dma_wait3A_784 = arith.constant 0 : i32
      %dma_wait3A_785 = tpu.memref_slice %arg6[%dma_wait3A_772, %dma_wait3A_782, %dma_wait3A_783, %dma_wait3A_784] : memref<2x2x200x64xf32, #tpu.memory_space<vmem>> -> memref<1x2x200x64xf32, #tpu.memory_space<vmem>>
      %dma_wait3A_786 = tpu.memref_squeeze %dma_wait3A_785 : memref<1x2x200x64xf32, #tpu.memory_space<vmem>> -> memref<2x200x64xf32, #tpu.memory_space<vmem>>
      %dma_wait3A_787 = arith.constant 0 : i32
      %dma_wait3A_788 = arith.constant 0 : i32
      %dma_wait3A_789 = arith.constant 0 : i32
      %dma_wait3A_790 = tpu.memref_slice %arg4[%dma_wait3A_787, %dma_wait3A_788, %dma_wait3A_789] : memref<4096x200x128xf32, #tpu.memory_space<hbm>> -> memref<2x200x64xf32, #tpu.memory_space<hbm>>
      tpu.wait_dma2 semaphore(%arg10 : memref<!tpu.dma_semaphore, #tpu.memory_space<semaphore_mem>>) src(%dma_wait3A_790 : memref<2x200x64xf32, #tpu.memory_space<hbm>>) dst(%dma_wait3A_786 : memref<2x200x64xf32, #tpu.memory_space<vmem>>)
      %mul3A_791 = arith.constant 4 : i32
      %mul3A_792 = arith.muli %mul3A_586, %mul3A_791 : i32
      %add3A_793 = arith.constant 0 : i32
      %add3A_794 = arith.addi %mul3A_792, %add3A_793 : i32
      %dma_start3A_795 = arith.constant 0 : i32
      %dma_start3A_796 = arith.constant 0 : i32
      %dma_start3A_797 = arith.constant 0 : i32
      %dma_start3A_798 = arith.constant 0 : i32
      %dma_start3A_799 = arith.constant 0 : i32
      %dma_start3A_800 = tpu.memref_slice %arg6[%dma_start3A_795, %dma_start3A_797, %dma_start3A_798, %dma_start3A_799] : memref<2x2x200x64xf32, #tpu.memory_space<vmem>> -> memref<1x2x200x64xf32, #tpu.memory_space<vmem>>
      %dma_start3A_801 = tpu.memref_squeeze %dma_start3A_800 : memref<1x2x200x64xf32, #tpu.memory_space<vmem>> -> memref<2x200x64xf32, #tpu.memory_space<vmem>>
      %dma_start3A_802 = arith.constant 0 : i32
      %dma_start3A_803 = arith.constant 0 : i32
      %dma_start3A_804 = tpu.memref_slice %dma_start3A_801[%dma_start3A_796, %dma_start3A_802, %dma_start3A_803] : memref<2x200x64xf32, #tpu.memory_space<vmem>> -> memref<1x200x64xf32, #tpu.memory_space<vmem>>
      %dma_start3A_805 = tpu.memref_squeeze %dma_start3A_804 : memref<1x200x64xf32, #tpu.memory_space<vmem>> -> memref<200x64xf32, #tpu.memory_space<vmem>>
      %dma_start3A_806 = arith.constant 0 : i32
      %dma_start3A_807 = arith.constant 0 : i32
      %dma_start3A_808 = tpu.memref_slice %dma_start3A_805[%dma_start3A_806, %dma_start3A_807] : memref<200x64xf32, #tpu.memory_space<vmem>> -> memref<100x64xf32, #tpu.memory_space<vmem>>
      %dma_start3A_809 = arith.constant 0 : i32
      %dma_start3A_810 = tpu.memref_slice %arg5[%add3A_794, %dma_start3A_809] : memref<256x100xi32, #tpu.memory_space<vmem>> -> memref<1x100xi32, #tpu.memory_space<vmem>>
      %dma_start3A_811 = tpu.memref_squeeze %dma_start3A_810 : memref<1x100xi32, #tpu.memory_space<vmem>> -> memref<100xi32, #tpu.memory_space<vmem>>
      %dma_start3A_812 = arith.constant 0 : i32
      %dma_start3A_813 = arith.constant 0 : i32
      %dma_start3A_814 = tpu.memref_slice %arg7[%dma_start3A_812, %dma_start3A_813] : memref<1001x64xf32, #tpu.memory_space<vmem_shared>> -> memref<1001x64xf32, #tpu.memory_space<vmem_shared>>
      tpu.enqueue_indirect_dma source(%dma_start3A_814 : memref<1001x64xf32, #tpu.memory_space<vmem_shared>>) target(%dma_start3A_808 : memref<100x64xf32, #tpu.memory_space<vmem>>) offsets(%dma_start3A_811 : memref<100xi32, #tpu.memory_space<vmem>>) semaphore(%arg8 : memref<!tpu.dma_semaphore, #tpu.memory_space<semaphore_mem>>)
      %mul3A_815 = arith.constant 4 : i32
      %mul3A_816 = arith.muli %mul3A_586, %mul3A_815 : i32
      %add3A_817 = arith.constant 1 : i32
      %add3A_818 = arith.addi %mul3A_816, %add3A_817 : i32
      %dma_start3A_819 = arith.constant 0 : i32
      %dma_start3A_820 = arith.constant 0 : i32
      %dma_start3A_821 = arith.constant 0 : i32
      %dma_start3A_822 = arith.constant 0 : i32
      %dma_start3A_823 = arith.constant 0 : i32
      %dma_start3A_824 = tpu.memref_slice %arg6[%dma_start3A_819, %dma_start3A_821, %dma_start3A_822, %dma_start3A_823] : memref<2x2x200x64xf32, #tpu.memory_space<vmem>> -> memref<1x2x200x64xf32, #tpu.memory_space<vmem>>
      %dma_start3A_825 = tpu.memref_squeeze %dma_start3A_824 : memref<1x2x200x64xf32, #tpu.memory_space<vmem>> -> memref<2x200x64xf32, #tpu.memory_space<vmem>>
      %dma_start3A_826 = arith.constant 0 : i32
      %dma_start3A_827 = arith.constant 0 : i32
      %dma_start3A_828 = tpu.memref_slice %dma_start3A_825[%dma_start3A_820, %dma_start3A_826, %dma_start3A_827] : memref<2x200x64xf32, #tpu.memory_space<vmem>> -> memref<1x200x64xf32, #tpu.memory_space<vmem>>
      %dma_start3A_829 = tpu.memref_squeeze %dma_start3A_828 : memref<1x200x64xf32, #tpu.memory_space<vmem>> -> memref<200x64xf32, #tpu.memory_space<vmem>>
      %dma_start3A_830 = arith.constant 100 : i32
      %dma_start3A_831 = arith.constant 0 : i32
      %dma_start3A_832 = tpu.memref_slice %dma_start3A_829[%dma_start3A_830, %dma_start3A_831] : memref<200x64xf32, #tpu.memory_space<vmem>> -> memref<100x64xf32, #tpu.memory_space<vmem>>
      %dma_start3A_833 = arith.constant 0 : i32
      %dma_start3A_834 = tpu.memref_slice %arg5[%add3A_818, %dma_start3A_833] : memref<256x100xi32, #tpu.memory_space<vmem>> -> memref<1x100xi32, #tpu.memory_space<vmem>>
      %dma_start3A_835 = tpu.memref_squeeze %dma_start3A_834 : memref<1x100xi32, #tpu.memory_space<vmem>> -> memref<100xi32, #tpu.memory_space<vmem>>
      %dma_start3A_836 = arith.constant 0 : i32
      %dma_start3A_837 = arith.constant 0 : i32
      %dma_start3A_838 = tpu.memref_slice %arg7[%dma_start3A_836, %dma_start3A_837] : memref<1001x64xf32, #tpu.memory_space<vmem_shared>> -> memref<1001x64xf32, #tpu.memory_space<vmem_shared>>
      tpu.enqueue_indirect_dma source(%dma_start3A_838 : memref<1001x64xf32, #tpu.memory_space<vmem_shared>>) target(%dma_start3A_832 : memref<100x64xf32, #tpu.memory_space<vmem>>) offsets(%dma_start3A_835 : memref<100xi32, #tpu.memory_space<vmem>>) semaphore(%arg8 : memref<!tpu.dma_semaphore, #tpu.memory_space<semaphore_mem>>)
      %mul3A_839 = arith.constant 4 : i32
      %mul3A_840 = arith.muli %mul3A_586, %mul3A_839 : i32
      %add3A_841 = arith.constant 2 : i32
      %add3A_842 = arith.addi %mul3A_840, %add3A_841 : i32
      %dma_start3A_843 = arith.constant 0 : i32
      %dma_start3A_844 = arith.constant 1 : i32
      %dma_start3A_845 = arith.constant 0 : i32
      %dma_start3A_846 = arith.constant 0 : i32
      %dma_start3A_847 = arith.constant 0 : i32
      %dma_start3A_848 = tpu.memref_slice %arg6[%dma_start3A_843, %dma_start3A_845, %dma_start3A_846, %dma_start3A_847] : memref<2x2x200x64xf32, #tpu.memory_space<vmem>> -> memref<1x2x200x64xf32, #tpu.memory_space<vmem>>
      %dma_start3A_849 = tpu.memref_squeeze %dma_start3A_848 : memref<1x2x200x64xf32, #tpu.memory_space<vmem>> -> memref<2x200x64xf32, #tpu.memory_space<vmem>>
      %dma_start3A_850 = arith.constant 0 : i32
      %dma_start3A_851 = arith.constant 0 : i32
      %dma_start3A_852 = tpu.memref_slice %dma_start3A_849[%dma_start3A_844, %dma_start3A_850, %dma_start3A_851] : memref<2x200x64xf32, #tpu.memory_space<vmem>> -> memref<1x200x64xf32, #tpu.memory_space<vmem>>
      %dma_start3A_853 = tpu.memref_squeeze %dma_start3A_852 : memref<1x200x64xf32, #tpu.memory_space<vmem>> -> memref<200x64xf32, #tpu.memory_space<vmem>>
      %dma_start3A_854 = arith.constant 0 : i32
      %dma_start3A_855 = arith.constant 0 : i32
      %dma_start3A_856 = tpu.memref_slice %dma_start3A_853[%dma_start3A_854, %dma_start3A_855] : memref<200x64xf32, #tpu.memory_space<vmem>> -> memref<100x64xf32, #tpu.memory_space<vmem>>
      %dma_start3A_857 = arith.constant 0 : i32
      %dma_start3A_858 = tpu.memref_slice %arg5[%add3A_842, %dma_start3A_857] : memref<256x100xi32, #tpu.memory_space<vmem>> -> memref<1x100xi32, #tpu.memory_space<vmem>>
      %dma_start3A_859 = tpu.memref_squeeze %dma_start3A_858 : memref<1x100xi32, #tpu.memory_space<vmem>> -> memref<100xi32, #tpu.memory_space<vmem>>
      %dma_start3A_860 = arith.constant 0 : i32
      %dma_start3A_861 = arith.constant 0 : i32
      %dma_start3A_862 = tpu.memref_slice %arg7[%dma_start3A_860, %dma_start3A_861] : memref<1001x64xf32, #tpu.memory_space<vmem_shared>> -> memref<1001x64xf32, #tpu.memory_space<vmem_shared>>
      tpu.enqueue_indirect_dma source(%dma_start3A_862 : memref<1001x64xf32, #tpu.memory_space<vmem_shared>>) target(%dma_start3A_856 : memref<100x64xf32, #tpu.memory_space<vmem>>) offsets(%dma_start3A_859 : memref<100xi32, #tpu.memory_space<vmem>>) semaphore(%arg8 : memref<!tpu.dma_semaphore, #tpu.memory_space<semaphore_mem>>)
      %mul3A_863 = arith.constant 4 : i32
      %mul3A_864 = arith.muli %mul3A_586, %mul3A_863 : i32
      %add3A_865 = arith.constant 3 : i32
      %add3A_866 = arith.addi %mul3A_864, %add3A_865 : i32
      %dma_start3A_867 = arith.constant 0 : i32
      %dma_start3A_868 = arith.constant 1 : i32
      %dma_start3A_869 = arith.constant 0 : i32
      %dma_start3A_870 = arith.constant 0 : i32
      %dma_start3A_871 = arith.constant 0 : i32
      %dma_start3A_872 = tpu.memref_slice %arg6[%dma_start3A_867, %dma_start3A_869, %dma_start3A_870, %dma_start3A_871] : memref<2x2x200x64xf32, #tpu.memory_space<vmem>> -> memref<1x2x200x64xf32, #tpu.memory_space<vmem>>
      %dma_start3A_873 = tpu.memref_squeeze %dma_start3A_872 : memref<1x2x200x64xf32, #tpu.memory_space<vmem>> -> memref<2x200x64xf32, #tpu.memory_space<vmem>>
      %dma_start3A_874 = arith.constant 0 : i32
      %dma_start3A_875 = arith.constant 0 : i32
      %dma_start3A_876 = tpu.memref_slice %dma_start3A_873[%dma_start3A_868, %dma_start3A_874, %dma_start3A_875] : memref<2x200x64xf32, #tpu.memory_space<vmem>> -> memref<1x200x64xf32, #tpu.memory_space<vmem>>
      %dma_start3A_877 = tpu.memref_squeeze %dma_start3A_876 : memref<1x200x64xf32, #tpu.memory_space<vmem>> -> memref<200x64xf32, #tpu.memory_space<vmem>>
      %dma_start3A_878 = arith.constant 100 : i32
      %dma_start3A_879 = arith.constant 0 : i32
      %dma_start3A_880 = tpu.memref_slice %dma_start3A_877[%dma_start3A_878, %dma_start3A_879] : memref<200x64xf32, #tpu.memory_space<vmem>> -> memref<100x64xf32, #tpu.memory_space<vmem>>
      %dma_start3A_881 = arith.constant 0 : i32
      %dma_start3A_882 = tpu.memref_slice %arg5[%add3A_866, %dma_start3A_881] : memref<256x100xi32, #tpu.memory_space<vmem>> -> memref<1x100xi32, #tpu.memory_space<vmem>>
      %dma_start3A_883 = tpu.memref_squeeze %dma_start3A_882 : memref<1x100xi32, #tpu.memory_space<vmem>> -> memref<100xi32, #tpu.memory_space<vmem>>
      %dma_start3A_884 = arith.constant 0 : i32
      %dma_start3A_885 = arith.constant 0 : i32
      %dma_start3A_886 = tpu.memref_slice %arg7[%dma_start3A_884, %dma_start3A_885] : memref<1001x64xf32, #tpu.memory_space<vmem_shared>> -> memref<1001x64xf32, #tpu.memory_space<vmem_shared>>
      tpu.enqueue_indirect_dma source(%dma_start3A_886 : memref<1001x64xf32, #tpu.memory_space<vmem_shared>>) target(%dma_start3A_880 : memref<100x64xf32, #tpu.memory_space<vmem>>) offsets(%dma_start3A_883 : memref<100xi32, #tpu.memory_space<vmem>>) semaphore(%arg8 : memref<!tpu.dma_semaphore, #tpu.memory_space<semaphore_mem>>)
      %mul3A_887 = arith.constant 2 : i32
      %mul3A_888 = arith.muli %mul3A_887, %scan3A_584 : i32
      %add3A_889 = arith.constant 1 : i32
      %add3A_890 = arith.addi %mul3A_888, %add3A_889 : i32
      %dma_wait3A_891 = arith.constant 0 : i32
      %dma_wait3A_892 = arith.constant 0 : i32
      %dma_wait3A_893 = arith.constant 0 : i32
      %dma_wait3A_894 = arith.constant 0 : i32
      %dma_wait3A_895 = arith.constant 0 : i32
      %dma_wait3A_896 = arith.constant 0 : i32
      %dma_wait3A_897 = tpu.memref_slice %arg6[%dma_wait3A_892, %dma_wait3A_894, %dma_wait3A_895, %dma_wait3A_896] : memref<2x2x200x64xf32, #tpu.memory_space<vmem>> -> memref<1x2x200x64xf32, #tpu.memory_space<vmem>>
      %dma_wait3A_898 = tpu.memref_squeeze %dma_wait3A_897 : memref<1x2x200x64xf32, #tpu.memory_space<vmem>> -> memref<2x200x64xf32, #tpu.memory_space<vmem>>
      %dma_wait3A_899 = arith.constant 0 : i32
      %dma_wait3A_900 = arith.constant 0 : i32
      %dma_wait3A_901 = tpu.memref_slice %dma_wait3A_898[%dma_wait3A_893, %dma_wait3A_899, %dma_wait3A_900] : memref<2x200x64xf32, #tpu.memory_space<vmem>> -> memref<1x200x64xf32, #tpu.memory_space<vmem>>
      %dma_wait3A_902 = tpu.memref_squeeze %dma_wait3A_901 : memref<1x200x64xf32, #tpu.memory_space<vmem>> -> memref<200x64xf32, #tpu.memory_space<vmem>>
      %dma_wait3A_903 = arith.constant 0 : i32
      %dma_wait3A_904 = arith.constant 0 : i32
      %dma_wait3A_905 = tpu.memref_slice %dma_wait3A_902[%dma_wait3A_903, %dma_wait3A_904] : memref<200x64xf32, #tpu.memory_space<vmem>> -> memref<100x64xf32, #tpu.memory_space<vmem>>
      %dma_wait3A_906 = arith.constant 0 : i32
      %dma_wait3A_907 = arith.constant 0 : i32
      %dma_wait3A_908 = tpu.memref_slice %arg4[%dma_wait3A_891, %dma_wait3A_906, %dma_wait3A_907] : memref<4096x200x128xf32, #tpu.memory_space<hbm>> -> memref<1x200x128xf32, #tpu.memory_space<hbm>>
      %dma_wait3A_909 = tpu.memref_squeeze %dma_wait3A_908 : memref<1x200x128xf32, #tpu.memory_space<hbm>> -> memref<200x128xf32, #tpu.memory_space<hbm>>
      %dma_wait3A_910 = arith.constant 0 : i32
      %dma_wait3A_911 = arith.constant 0 : i32
      %dma_wait3A_912 = tpu.memref_slice %dma_wait3A_909[%dma_wait3A_910, %dma_wait3A_911] : memref<200x128xf32, #tpu.memory_space<hbm>> -> memref<100x64xf32, #tpu.memory_space<hbm>>
      %dma_wait3A_913 = arith.constant 0 : i32
      %dma_wait3A_914 = arith.constant 0 : i32
      %dma_wait3A_915 = arith.constant 0 : i32
      %dma_wait3A_916 = tpu.memref_slice %arg6[%dma_wait3A_892, %dma_wait3A_913, %dma_wait3A_914, %dma_wait3A_915] : memref<2x2x200x64xf32, #tpu.memory_space<vmem>> -> memref<1x2x200x64xf32, #tpu.memory_space<vmem>>
      %dma_wait3A_917 = tpu.memref_squeeze %dma_wait3A_916 : memref<1x2x200x64xf32, #tpu.memory_space<vmem>> -> memref<2x200x64xf32, #tpu.memory_space<vmem>>
      %dma_wait3A_918 = arith.constant 0 : i32
      %dma_wait3A_919 = arith.constant 0 : i32
      %dma_wait3A_920 = tpu.memref_slice %dma_wait3A_917[%dma_wait3A_893, %dma_wait3A_918, %dma_wait3A_919] : memref<2x200x64xf32, #tpu.memory_space<vmem>> -> memref<1x200x64xf32, #tpu.memory_space<vmem>>
      %dma_wait3A_921 = tpu.memref_squeeze %dma_wait3A_920 : memref<1x200x64xf32, #tpu.memory_space<vmem>> -> memref<200x64xf32, #tpu.memory_space<vmem>>
      %dma_wait3A_922 = arith.constant 0 : i32
      %dma_wait3A_923 = arith.constant 0 : i32
      %dma_wait3A_924 = tpu.memref_slice %dma_wait3A_921[%dma_wait3A_922, %dma_wait3A_923] : memref<200x64xf32, #tpu.memory_space<vmem>> -> memref<100x64xf32, #tpu.memory_space<vmem>>
      %dma_wait3A_925 = arith.constant 0 : i32
      %dma_wait3A_926 = arith.constant 0 : i32
      %dma_wait3A_927 = tpu.memref_slice %arg4[%dma_wait3A_891, %dma_wait3A_925, %dma_wait3A_926] : memref<4096x200x128xf32, #tpu.memory_space<hbm>> -> memref<1x200x128xf32, #tpu.memory_space<hbm>>
      %dma_wait3A_928 = tpu.memref_squeeze %dma_wait3A_927 : memref<1x200x128xf32, #tpu.memory_space<hbm>> -> memref<200x128xf32, #tpu.memory_space<hbm>>
      %dma_wait3A_929 = arith.constant 0 : i32
      %dma_wait3A_930 = arith.constant 0 : i32
      %dma_wait3A_931 = tpu.memref_slice %dma_wait3A_928[%dma_wait3A_929, %dma_wait3A_930] : memref<200x128xf32, #tpu.memory_space<hbm>> -> memref<100x64xf32, #tpu.memory_space<hbm>>
      tpu.wait_dma2 semaphore(%arg8 : memref<!tpu.dma_semaphore, #tpu.memory_space<semaphore_mem>>) src(%dma_wait3A_931 : memref<100x64xf32, #tpu.memory_space<hbm>>) dst(%dma_wait3A_924 : memref<100x64xf32, #tpu.memory_space<vmem>>)
      %dma_wait3A_932 = arith.constant 0 : i32
      %dma_wait3A_933 = arith.constant 0 : i32
      %dma_wait3A_934 = arith.constant 0 : i32
      %dma_wait3A_935 = arith.constant 0 : i32
      %dma_wait3A_936 = arith.constant 0 : i32
      %dma_wait3A_937 = arith.constant 0 : i32
      %dma_wait3A_938 = tpu.memref_slice %arg6[%dma_wait3A_933, %dma_wait3A_935, %dma_wait3A_936, %dma_wait3A_937] : memref<2x2x200x64xf32, #tpu.memory_space<vmem>> -> memref<1x2x200x64xf32, #tpu.memory_space<vmem>>
      %dma_wait3A_939 = tpu.memref_squeeze %dma_wait3A_938 : memref<1x2x200x64xf32, #tpu.memory_space<vmem>> -> memref<2x200x64xf32, #tpu.memory_space<vmem>>
      %dma_wait3A_940 = arith.constant 0 : i32
      %dma_wait3A_941 = arith.constant 0 : i32
      %dma_wait3A_942 = tpu.memref_slice %dma_wait3A_939[%dma_wait3A_934, %dma_wait3A_940, %dma_wait3A_941] : memref<2x200x64xf32, #tpu.memory_space<vmem>> -> memref<1x200x64xf32, #tpu.memory_space<vmem>>
      %dma_wait3A_943 = tpu.memref_squeeze %dma_wait3A_942 : memref<1x200x64xf32, #tpu.memory_space<vmem>> -> memref<200x64xf32, #tpu.memory_space<vmem>>
      %dma_wait3A_944 = arith.constant 0 : i32
      %dma_wait3A_945 = arith.constant 0 : i32
      %dma_wait3A_946 = tpu.memref_slice %dma_wait3A_943[%dma_wait3A_944, %dma_wait3A_945] : memref<200x64xf32, #tpu.memory_space<vmem>> -> memref<100x64xf32, #tpu.memory_space<vmem>>
      %dma_wait3A_947 = arith.constant 0 : i32
      %dma_wait3A_948 = arith.constant 0 : i32
      %dma_wait3A_949 = tpu.memref_slice %arg4[%dma_wait3A_932, %dma_wait3A_947, %dma_wait3A_948] : memref<4096x200x128xf32, #tpu.memory_space<hbm>> -> memref<1x200x128xf32, #tpu.memory_space<hbm>>
      %dma_wait3A_950 = tpu.memref_squeeze %dma_wait3A_949 : memref<1x200x128xf32, #tpu.memory_space<hbm>> -> memref<200x128xf32, #tpu.memory_space<hbm>>
      %dma_wait3A_951 = arith.constant 0 : i32
      %dma_wait3A_952 = arith.constant 0 : i32
      %dma_wait3A_953 = tpu.memref_slice %dma_wait3A_950[%dma_wait3A_951, %dma_wait3A_952] : memref<200x128xf32, #tpu.memory_space<hbm>> -> memref<100x64xf32, #tpu.memory_space<hbm>>
      %dma_wait3A_954 = arith.constant 0 : i32
      %dma_wait3A_955 = arith.constant 0 : i32
      %dma_wait3A_956 = arith.constant 0 : i32
      %dma_wait3A_957 = tpu.memref_slice %arg6[%dma_wait3A_933, %dma_wait3A_954, %dma_wait3A_955, %dma_wait3A_956] : memref<2x2x200x64xf32, #tpu.memory_space<vmem>> -> memref<1x2x200x64xf32, #tpu.memory_space<vmem>>
      %dma_wait3A_958 = tpu.memref_squeeze %dma_wait3A_957 : memref<1x2x200x64xf32, #tpu.memory_space<vmem>> -> memref<2x200x64xf32, #tpu.memory_space<vmem>>
      %dma_wait3A_959 = arith.constant 0 : i32
      %dma_wait3A_960 = arith.constant 0 : i32
      %dma_wait3A_961 = tpu.memref_slice %dma_wait3A_958[%dma_wait3A_934, %dma_wait3A_959, %dma_wait3A_960] : memref<2x200x64xf32, #tpu.memory_space<vmem>> -> memref<1x200x64xf32, #tpu.memory_space<vmem>>
      %dma_wait3A_962 = tpu.memref_squeeze %dma_wait3A_961 : memref<1x200x64xf32, #tpu.memory_space<vmem>> -> memref<200x64xf32, #tpu.memory_space<vmem>>
      %dma_wait3A_963 = arith.constant 0 : i32
      %dma_wait3A_964 = arith.constant 0 : i32
      %dma_wait3A_965 = tpu.memref_slice %dma_wait3A_962[%dma_wait3A_963, %dma_wait3A_964] : memref<200x64xf32, #tpu.memory_space<vmem>> -> memref<100x64xf32, #tpu.memory_space<vmem>>
      %dma_wait3A_966 = arith.constant 0 : i32
      %dma_wait3A_967 = arith.constant 0 : i32
      %dma_wait3A_968 = tpu.memref_slice %arg4[%dma_wait3A_932, %dma_wait3A_966, %dma_wait3A_967] : memref<4096x200x128xf32, #tpu.memory_space<hbm>> -> memref<1x200x128xf32, #tpu.memory_space<hbm>>
      %dma_wait3A_969 = tpu.memref_squeeze %dma_wait3A_968 : memref<1x200x128xf32, #tpu.memory_space<hbm>> -> memref<200x128xf32, #tpu.memory_space<hbm>>
      %dma_wait3A_970 = arith.constant 0 : i32
      %dma_wait3A_971 = arith.constant 0 : i32
      %dma_wait3A_972 = tpu.memref_slice %dma_wait3A_969[%dma_wait3A_970, %dma_wait3A_971] : memref<200x128xf32, #tpu.memory_space<hbm>> -> memref<100x64xf32, #tpu.memory_space<hbm>>
      tpu.wait_dma2 semaphore(%arg8 : memref<!tpu.dma_semaphore, #tpu.memory_space<semaphore_mem>>) src(%dma_wait3A_972 : memref<100x64xf32, #tpu.memory_space<hbm>>) dst(%dma_wait3A_965 : memref<100x64xf32, #tpu.memory_space<vmem>>)
      %dma_wait3A_973 = arith.constant 0 : i32
      %dma_wait3A_974 = arith.constant 0 : i32
      %dma_wait3A_975 = arith.constant 0 : i32
      %dma_wait3A_976 = arith.constant 0 : i32
      %dma_wait3A_977 = arith.constant 0 : i32
      %dma_wait3A_978 = arith.constant 0 : i32
      %dma_wait3A_979 = tpu.memref_slice %arg6[%dma_wait3A_974, %dma_wait3A_976, %dma_wait3A_977, %dma_wait3A_978] : memref<2x2x200x64xf32, #tpu.memory_space<vmem>> -> memref<1x2x200x64xf32, #tpu.memory_space<vmem>>
      %dma_wait3A_980 = tpu.memref_squeeze %dma_wait3A_979 : memref<1x2x200x64xf32, #tpu.memory_space<vmem>> -> memref<2x200x64xf32, #tpu.memory_space<vmem>>
      %dma_wait3A_981 = arith.constant 0 : i32
      %dma_wait3A_982 = arith.constant 0 : i32
      %dma_wait3A_983 = tpu.memref_slice %dma_wait3A_980[%dma_wait3A_975, %dma_wait3A_981, %dma_wait3A_982] : memref<2x200x64xf32, #tpu.memory_space<vmem>> -> memref<1x200x64xf32, #tpu.memory_space<vmem>>
      %dma_wait3A_984 = tpu.memref_squeeze %dma_wait3A_983 : memref<1x200x64xf32, #tpu.memory_space<vmem>> -> memref<200x64xf32, #tpu.memory_space<vmem>>
      %dma_wait3A_985 = arith.constant 0 : i32
      %dma_wait3A_986 = arith.constant 0 : i32
      %dma_wait3A_987 = tpu.memref_slice %dma_wait3A_984[%dma_wait3A_985, %dma_wait3A_986] : memref<200x64xf32, #tpu.memory_space<vmem>> -> memref<100x64xf32, #tpu.memory_space<vmem>>
      %dma_wait3A_988 = arith.constant 0 : i32
      %dma_wait3A_989 = arith.constant 0 : i32
      %dma_wait3A_990 = tpu.memref_slice %arg4[%dma_wait3A_973, %dma_wait3A_988, %dma_wait3A_989] : memref<4096x200x128xf32, #tpu.memory_space<hbm>> -> memref<1x200x128xf32, #tpu.memory_space<hbm>>
      %dma_wait3A_991 = tpu.memref_squeeze %dma_wait3A_990 : memref<1x200x128xf32, #tpu.memory_space<hbm>> -> memref<200x128xf32, #tpu.memory_space<hbm>>
      %dma_wait3A_992 = arith.constant 0 : i32
      %dma_wait3A_993 = arith.constant 0 : i32
      %dma_wait3A_994 = tpu.memref_slice %dma_wait3A_991[%dma_wait3A_992, %dma_wait3A_993] : memref<200x128xf32, #tpu.memory_space<hbm>> -> memref<100x64xf32, #tpu.memory_space<hbm>>
      %dma_wait3A_995 = arith.constant 0 : i32
      %dma_wait3A_996 = arith.constant 0 : i32
      %dma_wait3A_997 = arith.constant 0 : i32
      %dma_wait3A_998 = tpu.memref_slice %arg6[%dma_wait3A_974, %dma_wait3A_995, %dma_wait3A_996, %dma_wait3A_997] : memref<2x2x200x64xf32, #tpu.memory_space<vmem>> -> memref<1x2x200x64xf32, #tpu.memory_space<vmem>>
      %dma_wait3A_999 = tpu.memref_squeeze %dma_wait3A_998 : memref<1x2x200x64xf32, #tpu.memory_space<vmem>> -> memref<2x200x64xf32, #tpu.memory_space<vmem>>
      %dma_wait3A_1000 = arith.constant 0 : i32
      %dma_wait3A_1001 = arith.constant 0 : i32
      %dma_wait3A_1002 = tpu.memref_slice %dma_wait3A_999[%dma_wait3A_975, %dma_wait3A_1000, %dma_wait3A_1001] : memref<2x200x64xf32, #tpu.memory_space<vmem>> -> memref<1x200x64xf32, #tpu.memory_space<vmem>>
      %dma_wait3A_1003 = tpu.memref_squeeze %dma_wait3A_1002 : memref<1x200x64xf32, #tpu.memory_space<vmem>> -> memref<200x64xf32, #tpu.memory_space<vmem>>
      %dma_wait3A_1004 = arith.constant 0 : i32
      %dma_wait3A_1005 = arith.constant 0 : i32
      %dma_wait3A_1006 = tpu.memref_slice %dma_wait3A_1003[%dma_wait3A_1004, %dma_wait3A_1005] : memref<200x64xf32, #tpu.memory_space<vmem>> -> memref<100x64xf32, #tpu.memory_space<vmem>>
      %dma_wait3A_1007 = arith.constant 0 : i32
      %dma_wait3A_1008 = arith.constant 0 : i32
      %dma_wait3A_1009 = tpu.memref_slice %arg4[%dma_wait3A_973, %dma_wait3A_1007, %dma_wait3A_1008] : memref<4096x200x128xf32, #tpu.memory_space<hbm>> -> memref<1x200x128xf32, #tpu.memory_space<hbm>>
      %dma_wait3A_1010 = tpu.memref_squeeze %dma_wait3A_1009 : memref<1x200x128xf32, #tpu.memory_space<hbm>> -> memref<200x128xf32, #tpu.memory_space<hbm>>
      %dma_wait3A_1011 = arith.constant 0 : i32
      %dma_wait3A_1012 = arith.constant 0 : i32
      %dma_wait3A_1013 = tpu.memref_slice %dma_wait3A_1010[%dma_wait3A_1011, %dma_wait3A_1012] : memref<200x128xf32, #tpu.memory_space<hbm>> -> memref<100x64xf32, #tpu.memory_space<hbm>>
      tpu.wait_dma2 semaphore(%arg8 : memref<!tpu.dma_semaphore, #tpu.memory_space<semaphore_mem>>) src(%dma_wait3A_1013 : memref<100x64xf32, #tpu.memory_space<hbm>>) dst(%dma_wait3A_1006 : memref<100x64xf32, #tpu.memory_space<vmem>>)
      %dma_wait3A_1014 = arith.constant 0 : i32
      %dma_wait3A_1015 = arith.constant 0 : i32
      %dma_wait3A_1016 = arith.constant 0 : i32
      %dma_wait3A_1017 = arith.constant 0 : i32
      %dma_wait3A_1018 = arith.constant 0 : i32
      %dma_wait3A_1019 = arith.constant 0 : i32
      %dma_wait3A_1020 = tpu.memref_slice %arg6[%dma_wait3A_1015, %dma_wait3A_1017, %dma_wait3A_1018, %dma_wait3A_1019] : memref<2x2x200x64xf32, #tpu.memory_space<vmem>> -> memref<1x2x200x64xf32, #tpu.memory_space<vmem>>
      %dma_wait3A_1021 = tpu.memref_squeeze %dma_wait3A_1020 : memref<1x2x200x64xf32, #tpu.memory_space<vmem>> -> memref<2x200x64xf32, #tpu.memory_space<vmem>>
      %dma_wait3A_1022 = arith.constant 0 : i32
      %dma_wait3A_1023 = arith.constant 0 : i32
      %dma_wait3A_1024 = tpu.memref_slice %dma_wait3A_1021[%dma_wait3A_1016, %dma_wait3A_1022, %dma_wait3A_1023] : memref<2x200x64xf32, #tpu.memory_space<vmem>> -> memref<1x200x64xf32, #tpu.memory_space<vmem>>
      %dma_wait3A_1025 = tpu.memref_squeeze %dma_wait3A_1024 : memref<1x200x64xf32, #tpu.memory_space<vmem>> -> memref<200x64xf32, #tpu.memory_space<vmem>>
      %dma_wait3A_1026 = arith.constant 0 : i32
      %dma_wait3A_1027 = arith.constant 0 : i32
      %dma_wait3A_1028 = tpu.memref_slice %dma_wait3A_1025[%dma_wait3A_1026, %dma_wait3A_1027] : memref<200x64xf32, #tpu.memory_space<vmem>> -> memref<100x64xf32, #tpu.memory_space<vmem>>
      %dma_wait3A_1029 = arith.constant 0 : i32
      %dma_wait3A_1030 = arith.constant 0 : i32
      %dma_wait3A_1031 = tpu.memref_slice %arg4[%dma_wait3A_1014, %dma_wait3A_1029, %dma_wait3A_1030] : memref<4096x200x128xf32, #tpu.memory_space<hbm>> -> memref<1x200x128xf32, #tpu.memory_space<hbm>>
      %dma_wait3A_1032 = tpu.memref_squeeze %dma_wait3A_1031 : memref<1x200x128xf32, #tpu.memory_space<hbm>> -> memref<200x128xf32, #tpu.memory_space<hbm>>
      %dma_wait3A_1033 = arith.constant 0 : i32
      %dma_wait3A_1034 = arith.constant 0 : i32
      %dma_wait3A_1035 = tpu.memref_slice %dma_wait3A_1032[%dma_wait3A_1033, %dma_wait3A_1034] : memref<200x128xf32, #tpu.memory_space<hbm>> -> memref<100x64xf32, #tpu.memory_space<hbm>>
      %dma_wait3A_1036 = arith.constant 0 : i32
      %dma_wait3A_1037 = arith.constant 0 : i32
      %dma_wait3A_1038 = arith.constant 0 : i32
      %dma_wait3A_1039 = tpu.memref_slice %arg6[%dma_wait3A_1015, %dma_wait3A_1036, %dma_wait3A_1037, %dma_wait3A_1038] : memref<2x2x200x64xf32, #tpu.memory_space<vmem>> -> memref<1x2x200x64xf32, #tpu.memory_space<vmem>>
      %dma_wait3A_1040 = tpu.memref_squeeze %dma_wait3A_1039 : memref<1x2x200x64xf32, #tpu.memory_space<vmem>> -> memref<2x200x64xf32, #tpu.memory_space<vmem>>
      %dma_wait3A_1041 = arith.constant 0 : i32
      %dma_wait3A_1042 = arith.constant 0 : i32
      %dma_wait3A_1043 = tpu.memref_slice %dma_wait3A_1040[%dma_wait3A_1016, %dma_wait3A_1041, %dma_wait3A_1042] : memref<2x200x64xf32, #tpu.memory_space<vmem>> -> memref<1x200x64xf32, #tpu.memory_space<vmem>>
      %dma_wait3A_1044 = tpu.memref_squeeze %dma_wait3A_1043 : memref<1x200x64xf32, #tpu.memory_space<vmem>> -> memref<200x64xf32, #tpu.memory_space<vmem>>
      %dma_wait3A_1045 = arith.constant 0 : i32
      %dma_wait3A_1046 = arith.constant 0 : i32
      %dma_wait3A_1047 = tpu.memref_slice %dma_wait3A_1044[%dma_wait3A_1045, %dma_wait3A_1046] : memref<200x64xf32, #tpu.memory_space<vmem>> -> memref<100x64xf32, #tpu.memory_space<vmem>>
      %dma_wait3A_1048 = arith.constant 0 : i32
      %dma_wait3A_1049 = arith.constant 0 : i32
      %dma_wait3A_1050 = tpu.memref_slice %arg4[%dma_wait3A_1014, %dma_wait3A_1048, %dma_wait3A_1049] : memref<4096x200x128xf32, #tpu.memory_space<hbm>> -> memref<1x200x128xf32, #tpu.memory_space<hbm>>
      %dma_wait3A_1051 = tpu.memref_squeeze %dma_wait3A_1050 : memref<1x200x128xf32, #tpu.memory_space<hbm>> -> memref<200x128xf32, #tpu.memory_space<hbm>>
      %dma_wait3A_1052 = arith.constant 0 : i32
      %dma_wait3A_1053 = arith.constant 0 : i32
      %dma_wait3A_1054 = tpu.memref_slice %dma_wait3A_1051[%dma_wait3A_1052, %dma_wait3A_1053] : memref<200x128xf32, #tpu.memory_space<hbm>> -> memref<100x64xf32, #tpu.memory_space<hbm>>
      tpu.wait_dma2 semaphore(%arg8 : memref<!tpu.dma_semaphore, #tpu.memory_space<semaphore_mem>>) src(%dma_wait3A_1054 : memref<100x64xf32, #tpu.memory_space<hbm>>) dst(%dma_wait3A_1047 : memref<100x64xf32, #tpu.memory_space<vmem>>)
      %sub3A_1055 = arith.constant 1 : i32
      %sub3A_1056 = arith.subi %add3A_890, %sub3A_1055 : i32
      %mul3A_1057 = arith.constant 2 : i32
      %mul3A_1058 = arith.muli %sub3A_1056, %mul3A_1057 : i32
      %add3A_1059 = arith.addi %mul3A_2, %mul3A_1058 : i32
      %dma_start3A_1060 = arith.constant 0 : i32
      %dma_start3A_1061 = arith.constant 0 : i32
      %dma_start3A_1062 = arith.constant 0 : i32
      %dma_start3A_1063 = arith.constant 0 : i32
      %dma_start3A_1064 = tpu.memref_slice %arg6[%dma_start3A_1060, %dma_start3A_1061, %dma_start3A_1062, %dma_start3A_1063] : memref<2x2x200x64xf32, #tpu.memory_space<vmem>> -> memref<1x2x200x64xf32, #tpu.memory_space<vmem>>
      %dma_start3A_1065 = tpu.memref_squeeze %dma_start3A_1064 : memref<1x2x200x64xf32, #tpu.memory_space<vmem>> -> memref<2x200x64xf32, #tpu.memory_space<vmem>>
      %dma_start3A_1066 = arith.constant 0 : i32
      %dma_start3A_1067 = arith.constant 0 : i32
      %dma_start3A_1068 = tpu.memref_slice %arg4[%add3A_1059, %dma_start3A_1066, %dma_start3A_1067] : memref<4096x200x128xf32, #tpu.memory_space<hbm>> -> memref<2x200x64xf32, #tpu.memory_space<hbm>>
      %dma_start3A_1069 = arith.constant 0 : i32
      %dma_start3A_1070 = arith.constant 0 : i32
      %dma_start3A_1071 = tpu.memref_slice %arg4[%add3A_1059, %dma_start3A_1069, %dma_start3A_1070] : memref<4096x200x128xf32, #tpu.memory_space<hbm>> -> memref<2x200x64xf32, #tpu.memory_space<hbm>>
      %dma_start3A_1072 = arith.constant 0 : i32
      %dma_start3A_1073 = arith.constant 0 : i32
      %dma_start3A_1074 = arith.constant 0 : i32
      %dma_start3A_1075 = tpu.memref_slice %arg6[%dma_start3A_1060, %dma_start3A_1072, %dma_start3A_1073, %dma_start3A_1074] : memref<2x2x200x64xf32, #tpu.memory_space<vmem>> -> memref<1x2x200x64xf32, #tpu.memory_space<vmem>>
      %dma_start3A_1076 = tpu.memref_squeeze %dma_start3A_1075 : memref<1x2x200x64xf32, #tpu.memory_space<vmem>> -> memref<2x200x64xf32, #tpu.memory_space<vmem>>
      tpu.enqueue_dma source(%dma_start3A_1076 : memref<2x200x64xf32, #tpu.memory_space<vmem>>) target(%dma_start3A_1071 : memref<2x200x64xf32, #tpu.memory_space<hbm>>) target_semaphore(%arg10 : memref<!tpu.dma_semaphore, #tpu.memory_space<semaphore_mem>>)
      %dma_wait3A_1077 = arith.constant 1 : i32
      %dma_wait3A_1078 = arith.constant 0 : i32
      %dma_wait3A_1079 = arith.constant 0 : i32
      %dma_wait3A_1080 = arith.constant 0 : i32
      %dma_wait3A_1081 = tpu.memref_slice %arg6[%dma_wait3A_1077, %dma_wait3A_1078, %dma_wait3A_1079, %dma_wait3A_1080] : memref<2x2x200x64xf32, #tpu.memory_space<vmem>> -> memref<1x2x200x64xf32, #tpu.memory_space<vmem>>
      %dma_wait3A_1082 = tpu.memref_squeeze %dma_wait3A_1081 : memref<1x2x200x64xf32, #tpu.memory_space<vmem>> -> memref<2x200x64xf32, #tpu.memory_space<vmem>>
      %dma_wait3A_1083 = arith.constant 0 : i32
      %dma_wait3A_1084 = arith.constant 0 : i32
      %dma_wait3A_1085 = arith.constant 0 : i32
      %dma_wait3A_1086 = tpu.memref_slice %arg4[%dma_wait3A_1083, %dma_wait3A_1084, %dma_wait3A_1085] : memref<4096x200x128xf32, #tpu.memory_space<hbm>> -> memref<2x200x64xf32, #tpu.memory_space<hbm>>
      %dma_wait3A_1087 = arith.constant 0 : i32
      %dma_wait3A_1088 = arith.constant 0 : i32
      %dma_wait3A_1089 = arith.constant 0 : i32
      %dma_wait3A_1090 = tpu.memref_slice %arg6[%dma_wait3A_1077, %dma_wait3A_1087, %dma_wait3A_1088, %dma_wait3A_1089] : memref<2x2x200x64xf32, #tpu.memory_space<vmem>> -> memref<1x2x200x64xf32, #tpu.memory_space<vmem>>
      %dma_wait3A_1091 = tpu.memref_squeeze %dma_wait3A_1090 : memref<1x2x200x64xf32, #tpu.memory_space<vmem>> -> memref<2x200x64xf32, #tpu.memory_space<vmem>>
      %dma_wait3A_1092 = arith.constant 0 : i32
      %dma_wait3A_1093 = arith.constant 0 : i32
      %dma_wait3A_1094 = arith.constant 0 : i32
      %dma_wait3A_1095 = tpu.memref_slice %arg4[%dma_wait3A_1092, %dma_wait3A_1093, %dma_wait3A_1094] : memref<4096x200x128xf32, #tpu.memory_space<hbm>> -> memref<2x200x64xf32, #tpu.memory_space<hbm>>
      tpu.wait_dma2 semaphore(%arg11 : memref<!tpu.dma_semaphore, #tpu.memory_space<semaphore_mem>>) src(%dma_wait3A_1095 : memref<2x200x64xf32, #tpu.memory_space<hbm>>) dst(%dma_wait3A_1091 : memref<2x200x64xf32, #tpu.memory_space<vmem>>)
      %mul3A_1096 = arith.constant 4 : i32
      %mul3A_1097 = arith.muli %add3A_890, %mul3A_1096 : i32
      %add3A_1098 = arith.constant 0 : i32
      %add3A_1099 = arith.addi %mul3A_1097, %add3A_1098 : i32
      %dma_start3A_1100 = arith.constant 1 : i32
      %dma_start3A_1101 = arith.constant 0 : i32
      %dma_start3A_1102 = arith.constant 0 : i32
      %dma_start3A_1103 = arith.constant 0 : i32
      %dma_start3A_1104 = arith.constant 0 : i32
      %dma_start3A_1105 = tpu.memref_slice %arg6[%dma_start3A_1100, %dma_start3A_1102, %dma_start3A_1103, %dma_start3A_1104] : memref<2x2x200x64xf32, #tpu.memory_space<vmem>> -> memref<1x2x200x64xf32, #tpu.memory_space<vmem>>
      %dma_start3A_1106 = tpu.memref_squeeze %dma_start3A_1105 : memref<1x2x200x64xf32, #tpu.memory_space<vmem>> -> memref<2x200x64xf32, #tpu.memory_space<vmem>>
      %dma_start3A_1107 = arith.constant 0 : i32
      %dma_start3A_1108 = arith.constant 0 : i32
      %dma_start3A_1109 = tpu.memref_slice %dma_start3A_1106[%dma_start3A_1101, %dma_start3A_1107, %dma_start3A_1108] : memref<2x200x64xf32, #tpu.memory_space<vmem>> -> memref<1x200x64xf32, #tpu.memory_space<vmem>>
      %dma_start3A_1110 = tpu.memref_squeeze %dma_start3A_1109 : memref<1x200x64xf32, #tpu.memory_space<vmem>> -> memref<200x64xf32, #tpu.memory_space<vmem>>
      %dma_start3A_1111 = arith.constant 0 : i32
      %dma_start3A_1112 = arith.constant 0 : i32
      %dma_start3A_1113 = tpu.memref_slice %dma_start3A_1110[%dma_start3A_1111, %dma_start3A_1112] : memref<200x64xf32, #tpu.memory_space<vmem>> -> memref<100x64xf32, #tpu.memory_space<vmem>>
      %dma_start3A_1114 = arith.constant 0 : i32
      %dma_start3A_1115 = tpu.memref_slice %arg5[%add3A_1099, %dma_start3A_1114] : memref<256x100xi32, #tpu.memory_space<vmem>> -> memref<1x100xi32, #tpu.memory_space<vmem>>
      %dma_start3A_1116 = tpu.memref_squeeze %dma_start3A_1115 : memref<1x100xi32, #tpu.memory_space<vmem>> -> memref<100xi32, #tpu.memory_space<vmem>>
      %dma_start3A_1117 = arith.constant 0 : i32
      %dma_start3A_1118 = arith.constant 0 : i32
      %dma_start3A_1119 = tpu.memref_slice %arg7[%dma_start3A_1117, %dma_start3A_1118] : memref<1001x64xf32, #tpu.memory_space<vmem_shared>> -> memref<1001x64xf32, #tpu.memory_space<vmem_shared>>
      tpu.enqueue_indirect_dma source(%dma_start3A_1119 : memref<1001x64xf32, #tpu.memory_space<vmem_shared>>) target(%dma_start3A_1113 : memref<100x64xf32, #tpu.memory_space<vmem>>) offsets(%dma_start3A_1116 : memref<100xi32, #tpu.memory_space<vmem>>) semaphore(%arg9 : memref<!tpu.dma_semaphore, #tpu.memory_space<semaphore_mem>>)
      %mul3A_1120 = arith.constant 4 : i32
      %mul3A_1121 = arith.muli %add3A_890, %mul3A_1120 : i32
      %add3A_1122 = arith.constant 1 : i32
      %add3A_1123 = arith.addi %mul3A_1121, %add3A_1122 : i32
      %dma_start3A_1124 = arith.constant 1 : i32
      %dma_start3A_1125 = arith.constant 0 : i32
      %dma_start3A_1126 = arith.constant 0 : i32
      %dma_start3A_1127 = arith.constant 0 : i32
      %dma_start3A_1128 = arith.constant 0 : i32
      %dma_start3A_1129 = tpu.memref_slice %arg6[%dma_start3A_1124, %dma_start3A_1126, %dma_start3A_1127, %dma_start3A_1128] : memref<2x2x200x64xf32, #tpu.memory_space<vmem>> -> memref<1x2x200x64xf32, #tpu.memory_space<vmem>>
      %dma_start3A_1130 = tpu.memref_squeeze %dma_start3A_1129 : memref<1x2x200x64xf32, #tpu.memory_space<vmem>> -> memref<2x200x64xf32, #tpu.memory_space<vmem>>
      %dma_start3A_1131 = arith.constant 0 : i32
      %dma_start3A_1132 = arith.constant 0 : i32
      %dma_start3A_1133 = tpu.memref_slice %dma_start3A_1130[%dma_start3A_1125, %dma_start3A_1131, %dma_start3A_1132] : memref<2x200x64xf32, #tpu.memory_space<vmem>> -> memref<1x200x64xf32, #tpu.memory_space<vmem>>
      %dma_start3A_1134 = tpu.memref_squeeze %dma_start3A_1133 : memref<1x200x64xf32, #tpu.memory_space<vmem>> -> memref<200x64xf32, #tpu.memory_space<vmem>>
      %dma_start3A_1135 = arith.constant 100 : i32
      %dma_start3A_1136 = arith.constant 0 : i32
      %dma_start3A_1137 = tpu.memref_slice %dma_start3A_1134[%dma_start3A_1135, %dma_start3A_1136] : memref<200x64xf32, #tpu.memory_space<vmem>> -> memref<100x64xf32, #tpu.memory_space<vmem>>
      %dma_start3A_1138 = arith.constant 0 : i32
      %dma_start3A_1139 = tpu.memref_slice %arg5[%add3A_1123, %dma_start3A_1138] : memref<256x100xi32, #tpu.memory_space<vmem>> -> memref<1x100xi32, #tpu.memory_space<vmem>>
      %dma_start3A_1140 = tpu.memref_squeeze %dma_start3A_1139 : memref<1x100xi32, #tpu.memory_space<vmem>> -> memref<100xi32, #tpu.memory_space<vmem>>
      %dma_start3A_1141 = arith.constant 0 : i32
      %dma_start3A_1142 = arith.constant 0 : i32
      %dma_start3A_1143 = tpu.memref_slice %arg7[%dma_start3A_1141, %dma_start3A_1142] : memref<1001x64xf32, #tpu.memory_space<vmem_shared>> -> memref<1001x64xf32, #tpu.memory_space<vmem_shared>>
      tpu.enqueue_indirect_dma source(%dma_start3A_1143 : memref<1001x64xf32, #tpu.memory_space<vmem_shared>>) target(%dma_start3A_1137 : memref<100x64xf32, #tpu.memory_space<vmem>>) offsets(%dma_start3A_1140 : memref<100xi32, #tpu.memory_space<vmem>>) semaphore(%arg9 : memref<!tpu.dma_semaphore, #tpu.memory_space<semaphore_mem>>)
      %mul3A_1144 = arith.constant 4 : i32
      %mul3A_1145 = arith.muli %add3A_890, %mul3A_1144 : i32
      %add3A_1146 = arith.constant 2 : i32
      %add3A_1147 = arith.addi %mul3A_1145, %add3A_1146 : i32
      %dma_start3A_1148 = arith.constant 1 : i32
      %dma_start3A_1149 = arith.constant 1 : i32
      %dma_start3A_1150 = arith.constant 0 : i32
      %dma_start3A_1151 = arith.constant 0 : i32
      %dma_start3A_1152 = arith.constant 0 : i32
      %dma_start3A_1153 = tpu.memref_slice %arg6[%dma_start3A_1148, %dma_start3A_1150, %dma_start3A_1151, %dma_start3A_1152] : memref<2x2x200x64xf32, #tpu.memory_space<vmem>> -> memref<1x2x200x64xf32, #tpu.memory_space<vmem>>
      %dma_start3A_1154 = tpu.memref_squeeze %dma_start3A_1153 : memref<1x2x200x64xf32, #tpu.memory_space<vmem>> -> memref<2x200x64xf32, #tpu.memory_space<vmem>>
      %dma_start3A_1155 = arith.constant 0 : i32
      %dma_start3A_1156 = arith.constant 0 : i32
      %dma_start3A_1157 = tpu.memref_slice %dma_start3A_1154[%dma_start3A_1149, %dma_start3A_1155, %dma_start3A_1156] : memref<2x200x64xf32, #tpu.memory_space<vmem>> -> memref<1x200x64xf32, #tpu.memory_space<vmem>>
      %dma_start3A_1158 = tpu.memref_squeeze %dma_start3A_1157 : memref<1x200x64xf32, #tpu.memory_space<vmem>> -> memref<200x64xf32, #tpu.memory_space<vmem>>
      %dma_start3A_1159 = arith.constant 0 : i32
      %dma_start3A_1160 = arith.constant 0 : i32
      %dma_start3A_1161 = tpu.memref_slice %dma_start3A_1158[%dma_start3A_1159, %dma_start3A_1160] : memref<200x64xf32, #tpu.memory_space<vmem>> -> memref<100x64xf32, #tpu.memory_space<vmem>>
      %dma_start3A_1162 = arith.constant 0 : i32
      %dma_start3A_1163 = tpu.memref_slice %arg5[%add3A_1147, %dma_start3A_1162] : memref<256x100xi32, #tpu.memory_space<vmem>> -> memref<1x100xi32, #tpu.memory_space<vmem>>
      %dma_start3A_1164 = tpu.memref_squeeze %dma_start3A_1163 : memref<1x100xi32, #tpu.memory_space<vmem>> -> memref<100xi32, #tpu.memory_space<vmem>>
      %dma_start3A_1165 = arith.constant 0 : i32
      %dma_start3A_1166 = arith.constant 0 : i32
      %dma_start3A_1167 = tpu.memref_slice %arg7[%dma_start3A_1165, %dma_start3A_1166] : memref<1001x64xf32, #tpu.memory_space<vmem_shared>> -> memref<1001x64xf32, #tpu.memory_space<vmem_shared>>
      tpu.enqueue_indirect_dma source(%dma_start3A_1167 : memref<1001x64xf32, #tpu.memory_space<vmem_shared>>) target(%dma_start3A_1161 : memref<100x64xf32, #tpu.memory_space<vmem>>) offsets(%dma_start3A_1164 : memref<100xi32, #tpu.memory_space<vmem>>) semaphore(%arg9 : memref<!tpu.dma_semaphore, #tpu.memory_space<semaphore_mem>>)
      %mul3A_1168 = arith.constant 4 : i32
      %mul3A_1169 = arith.muli %add3A_890, %mul3A_1168 : i32
      %add3A_1170 = arith.constant 3 : i32
      %add3A_1171 = arith.addi %mul3A_1169, %add3A_1170 : i32
      %dma_start3A_1172 = arith.constant 1 : i32
      %dma_start3A_1173 = arith.constant 1 : i32
      %dma_start3A_1174 = arith.constant 0 : i32
      %dma_start3A_1175 = arith.constant 0 : i32
      %dma_start3A_1176 = arith.constant 0 : i32
      %dma_start3A_1177 = tpu.memref_slice %arg6[%dma_start3A_1172, %dma_start3A_1174, %dma_start3A_1175, %dma_start3A_1176] : memref<2x2x200x64xf32, #tpu.memory_space<vmem>> -> memref<1x2x200x64xf32, #tpu.memory_space<vmem>>
      %dma_start3A_1178 = tpu.memref_squeeze %dma_start3A_1177 : memref<1x2x200x64xf32, #tpu.memory_space<vmem>> -> memref<2x200x64xf32, #tpu.memory_space<vmem>>
      %dma_start3A_1179 = arith.constant 0 : i32
      %dma_start3A_1180 = arith.constant 0 : i32
      %dma_start3A_1181 = tpu.memref_slice %dma_start3A_1178[%dma_start3A_1173, %dma_start3A_1179, %dma_start3A_1180] : memref<2x200x64xf32, #tpu.memory_space<vmem>> -> memref<1x200x64xf32, #tpu.memory_space<vmem>>
      %dma_start3A_1182 = tpu.memref_squeeze %dma_start3A_1181 : memref<1x200x64xf32, #tpu.memory_space<vmem>> -> memref<200x64xf32, #tpu.memory_space<vmem>>
      %dma_start3A_1183 = arith.constant 100 : i32
      %dma_start3A_1184 = arith.constant 0 : i32
      %dma_start3A_1185 = tpu.memref_slice %dma_start3A_1182[%dma_start3A_1183, %dma_start3A_1184] : memref<200x64xf32, #tpu.memory_space<vmem>> -> memref<100x64xf32, #tpu.memory_space<vmem>>
      %dma_start3A_1186 = arith.constant 0 : i32
      %dma_start3A_1187 = tpu.memref_slice %arg5[%add3A_1171, %dma_start3A_1186] : memref<256x100xi32, #tpu.memory_space<vmem>> -> memref<1x100xi32, #tpu.memory_space<vmem>>
      %dma_start3A_1188 = tpu.memref_squeeze %dma_start3A_1187 : memref<1x100xi32, #tpu.memory_space<vmem>> -> memref<100xi32, #tpu.memory_space<vmem>>
      %dma_start3A_1189 = arith.constant 0 : i32
      %dma_start3A_1190 = arith.constant 0 : i32
      %dma_start3A_1191 = tpu.memref_slice %arg7[%dma_start3A_1189, %dma_start3A_1190] : memref<1001x64xf32, #tpu.memory_space<vmem_shared>> -> memref<1001x64xf32, #tpu.memory_space<vmem_shared>>
      tpu.enqueue_indirect_dma source(%dma_start3A_1191 : memref<1001x64xf32, #tpu.memory_space<vmem_shared>>) target(%dma_start3A_1185 : memref<100x64xf32, #tpu.memory_space<vmem>>) offsets(%dma_start3A_1188 : memref<100xi32, #tpu.memory_space<vmem>>) semaphore(%arg9 : memref<!tpu.dma_semaphore, #tpu.memory_space<semaphore_mem>>)
    }
    %scan3A_362 = arith.constant 31 : i32
    %dma_wait3A_363 = arith.constant 0 : i32
    %dma_wait3A_364 = arith.constant 1 : i32
    %dma_wait3A_365 = arith.constant 0 : i32
    %dma_wait3A_366 = arith.constant 0 : i32
    %dma_wait3A_367 = arith.constant 0 : i32
    %dma_wait3A_368 = arith.constant 0 : i32
    %dma_wait3A_369 = tpu.memref_slice %arg6[%dma_wait3A_364, %dma_wait3A_366, %dma_wait3A_367, %dma_wait3A_368] : memref<2x2x200x64xf32, #tpu.memory_space<vmem>> -> memref<1x2x200x64xf32, #tpu.memory_space<vmem>>
    %dma_wait3A_370 = tpu.memref_squeeze %dma_wait3A_369 : memref<1x2x200x64xf32, #tpu.memory_space<vmem>> -> memref<2x200x64xf32, #tpu.memory_space<vmem>>
    %dma_wait3A_371 = arith.constant 0 : i32
    %dma_wait3A_372 = arith.constant 0 : i32
    %dma_wait3A_373 = tpu.memref_slice %dma_wait3A_370[%dma_wait3A_365, %dma_wait3A_371, %dma_wait3A_372] : memref<2x200x64xf32, #tpu.memory_space<vmem>> -> memref<1x200x64xf32, #tpu.memory_space<vmem>>
    %dma_wait3A_374 = tpu.memref_squeeze %dma_wait3A_373 : memref<1x200x64xf32, #tpu.memory_space<vmem>> -> memref<200x64xf32, #tpu.memory_space<vmem>>
    %dma_wait3A_375 = arith.constant 0 : i32
    %dma_wait3A_376 = arith.constant 0 : i32
    %dma_wait3A_377 = tpu.memref_slice %dma_wait3A_374[%dma_wait3A_375, %dma_wait3A_376] : memref<200x64xf32, #tpu.memory_space<vmem>> -> memref<100x64xf32, #tpu.memory_space<vmem>>
    %dma_wait3A_378 = arith.constant 0 : i32
    %dma_wait3A_379 = arith.constant 0 : i32
    %dma_wait3A_380 = tpu.memref_slice %arg4[%dma_wait3A_363, %dma_wait3A_378, %dma_wait3A_379] : memref<4096x200x128xf32, #tpu.memory_space<hbm>> -> memref<1x200x128xf32, #tpu.memory_space<hbm>>
    %dma_wait3A_381 = tpu.memref_squeeze %dma_wait3A_380 : memref<1x200x128xf32, #tpu.memory_space<hbm>> -> memref<200x128xf32, #tpu.memory_space<hbm>>
    %dma_wait3A_382 = arith.constant 0 : i32
    %dma_wait3A_383 = arith.constant 0 : i32
    %dma_wait3A_384 = tpu.memref_slice %dma_wait3A_381[%dma_wait3A_382, %dma_wait3A_383] : memref<200x128xf32, #tpu.memory_space<hbm>> -> memref<100x64xf32, #tpu.memory_space<hbm>>
    %dma_wait3A_385 = arith.constant 0 : i32
    %dma_wait3A_386 = arith.constant 0 : i32
    %dma_wait3A_387 = arith.constant 0 : i32
    %dma_wait3A_388 = tpu.memref_slice %arg6[%dma_wait3A_364, %dma_wait3A_385, %dma_wait3A_386, %dma_wait3A_387] : memref<2x2x200x64xf32, #tpu.memory_space<vmem>> -> memref<1x2x200x64xf32, #tpu.memory_space<vmem>>
    %dma_wait3A_389 = tpu.memref_squeeze %dma_wait3A_388 : memref<1x2x200x64xf32, #tpu.memory_space<vmem>> -> memref<2x200x64xf32, #tpu.memory_space<vmem>>
    %dma_wait3A_390 = arith.constant 0 : i32
    %dma_wait3A_391 = arith.constant 0 : i32
    %dma_wait3A_392 = tpu.memref_slice %dma_wait3A_389[%dma_wait3A_365, %dma_wait3A_390, %dma_wait3A_391] : memref<2x200x64xf32, #tpu.memory_space<vmem>> -> memref<1x200x64xf32, #tpu.memory_space<vmem>>
    %dma_wait3A_393 = tpu.memref_squeeze %dma_wait3A_392 : memref<1x200x64xf32, #tpu.memory_space<vmem>> -> memref<200x64xf32, #tpu.memory_space<vmem>>
    %dma_wait3A_394 = arith.constant 0 : i32
    %dma_wait3A_395 = arith.constant 0 : i32
    %dma_wait3A_396 = tpu.memref_slice %dma_wait3A_393[%dma_wait3A_394, %dma_wait3A_395] : memref<200x64xf32, #tpu.memory_space<vmem>> -> memref<100x64xf32, #tpu.memory_space<vmem>>
    %dma_wait3A_397 = arith.constant 0 : i32
    %dma_wait3A_398 = arith.constant 0 : i32
    %dma_wait3A_399 = tpu.memref_slice %arg4[%dma_wait3A_363, %dma_wait3A_397, %dma_wait3A_398] : memref<4096x200x128xf32, #tpu.memory_space<hbm>> -> memref<1x200x128xf32, #tpu.memory_space<hbm>>
    %dma_wait3A_400 = tpu.memref_squeeze %dma_wait3A_399 : memref<1x200x128xf32, #tpu.memory_space<hbm>> -> memref<200x128xf32, #tpu.memory_space<hbm>>
    %dma_wait3A_401 = arith.constant 0 : i32
    %dma_wait3A_402 = arith.constant 0 : i32
    %dma_wait3A_403 = tpu.memref_slice %dma_wait3A_400[%dma_wait3A_401, %dma_wait3A_402] : memref<200x128xf32, #tpu.memory_space<hbm>> -> memref<100x64xf32, #tpu.memory_space<hbm>>
    tpu.wait_dma2 semaphore(%arg9 : memref<!tpu.dma_semaphore, #tpu.memory_space<semaphore_mem>>) src(%dma_wait3A_403 : memref<100x64xf32, #tpu.memory_space<hbm>>) dst(%dma_wait3A_396 : memref<100x64xf32, #tpu.memory_space<vmem>>)
    %dma_wait3A_404 = arith.constant 0 : i32
    %dma_wait3A_405 = arith.constant 1 : i32
    %dma_wait3A_406 = arith.constant 0 : i32
    %dma_wait3A_407 = arith.constant 0 : i32
    %dma_wait3A_408 = arith.constant 0 : i32
    %dma_wait3A_409 = arith.constant 0 : i32
    %dma_wait3A_410 = tpu.memref_slice %arg6[%dma_wait3A_405, %dma_wait3A_407, %dma_wait3A_408, %dma_wait3A_409] : memref<2x2x200x64xf32, #tpu.memory_space<vmem>> -> memref<1x2x200x64xf32, #tpu.memory_space<vmem>>
    %dma_wait3A_411 = tpu.memref_squeeze %dma_wait3A_410 : memref<1x2x200x64xf32, #tpu.memory_space<vmem>> -> memref<2x200x64xf32, #tpu.memory_space<vmem>>
    %dma_wait3A_412 = arith.constant 0 : i32
    %dma_wait3A_413 = arith.constant 0 : i32
    %dma_wait3A_414 = tpu.memref_slice %dma_wait3A_411[%dma_wait3A_406, %dma_wait3A_412, %dma_wait3A_413] : memref<2x200x64xf32, #tpu.memory_space<vmem>> -> memref<1x200x64xf32, #tpu.memory_space<vmem>>
    %dma_wait3A_415 = tpu.memref_squeeze %dma_wait3A_414 : memref<1x200x64xf32, #tpu.memory_space<vmem>> -> memref<200x64xf32, #tpu.memory_space<vmem>>
    %dma_wait3A_416 = arith.constant 0 : i32
    %dma_wait3A_417 = arith.constant 0 : i32
    %dma_wait3A_418 = tpu.memref_slice %dma_wait3A_415[%dma_wait3A_416, %dma_wait3A_417] : memref<200x64xf32, #tpu.memory_space<vmem>> -> memref<100x64xf32, #tpu.memory_space<vmem>>
    %dma_wait3A_419 = arith.constant 0 : i32
    %dma_wait3A_420 = arith.constant 0 : i32
    %dma_wait3A_421 = tpu.memref_slice %arg4[%dma_wait3A_404, %dma_wait3A_419, %dma_wait3A_420] : memref<4096x200x128xf32, #tpu.memory_space<hbm>> -> memref<1x200x128xf32, #tpu.memory_space<hbm>>
    %dma_wait3A_422 = tpu.memref_squeeze %dma_wait3A_421 : memref<1x200x128xf32, #tpu.memory_space<hbm>> -> memref<200x128xf32, #tpu.memory_space<hbm>>
    %dma_wait3A_423 = arith.constant 0 : i32
    %dma_wait3A_424 = arith.constant 0 : i32
    %dma_wait3A_425 = tpu.memref_slice %dma_wait3A_422[%dma_wait3A_423, %dma_wait3A_424] : memref<200x128xf32, #tpu.memory_space<hbm>> -> memref<100x64xf32, #tpu.memory_space<hbm>>
    %dma_wait3A_426 = arith.constant 0 : i32
    %dma_wait3A_427 = arith.constant 0 : i32
    %dma_wait3A_428 = arith.constant 0 : i32
    %dma_wait3A_429 = tpu.memref_slice %arg6[%dma_wait3A_405, %dma_wait3A_426, %dma_wait3A_427, %dma_wait3A_428] : memref<2x2x200x64xf32, #tpu.memory_space<vmem>> -> memref<1x2x200x64xf32, #tpu.memory_space<vmem>>
    %dma_wait3A_430 = tpu.memref_squeeze %dma_wait3A_429 : memref<1x2x200x64xf32, #tpu.memory_space<vmem>> -> memref<2x200x64xf32, #tpu.memory_space<vmem>>
    %dma_wait3A_431 = arith.constant 0 : i32
    %dma_wait3A_432 = arith.constant 0 : i32
    %dma_wait3A_433 = tpu.memref_slice %dma_wait3A_430[%dma_wait3A_406, %dma_wait3A_431, %dma_wait3A_432] : memref<2x200x64xf32, #tpu.memory_space<vmem>> -> memref<1x200x64xf32, #tpu.memory_space<vmem>>
    %dma_wait3A_434 = tpu.memref_squeeze %dma_wait3A_433 : memref<1x200x64xf32, #tpu.memory_space<vmem>> -> memref<200x64xf32, #tpu.memory_space<vmem>>
    %dma_wait3A_435 = arith.constant 0 : i32
    %dma_wait3A_436 = arith.constant 0 : i32
    %dma_wait3A_437 = tpu.memref_slice %dma_wait3A_434[%dma_wait3A_435, %dma_wait3A_436] : memref<200x64xf32, #tpu.memory_space<vmem>> -> memref<100x64xf32, #tpu.memory_space<vmem>>
    %dma_wait3A_438 = arith.constant 0 : i32
    %dma_wait3A_439 = arith.constant 0 : i32
    %dma_wait3A_440 = tpu.memref_slice %arg4[%dma_wait3A_404, %dma_wait3A_438, %dma_wait3A_439] : memref<4096x200x128xf32, #tpu.memory_space<hbm>> -> memref<1x200x128xf32, #tpu.memory_space<hbm>>
    %dma_wait3A_441 = tpu.memref_squeeze %dma_wait3A_440 : memref<1x200x128xf32, #tpu.memory_space<hbm>> -> memref<200x128xf32, #tpu.memory_space<hbm>>
    %dma_wait3A_442 = arith.constant 0 : i32
    %dma_wait3A_443 = arith.constant 0 : i32
    %dma_wait3A_444 = tpu.memref_slice %dma_wait3A_441[%dma_wait3A_442, %dma_wait3A_443] : memref<200x128xf32, #tpu.memory_space<hbm>> -> memref<100x64xf32, #tpu.memory_space<hbm>>
    tpu.wait_dma2 semaphore(%arg9 : memref<!tpu.dma_semaphore, #tpu.memory_space<semaphore_mem>>) src(%dma_wait3A_444 : memref<100x64xf32, #tpu.memory_space<hbm>>) dst(%dma_wait3A_437 : memref<100x64xf32, #tpu.memory_space<vmem>>)
    %dma_wait3A_445 = arith.constant 0 : i32
    %dma_wait3A_446 = arith.constant 1 : i32
    %dma_wait3A_447 = arith.constant 0 : i32
    %dma_wait3A_448 = arith.constant 0 : i32
    %dma_wait3A_449 = arith.constant 0 : i32
    %dma_wait3A_450 = arith.constant 0 : i32
    %dma_wait3A_451 = tpu.memref_slice %arg6[%dma_wait3A_446, %dma_wait3A_448, %dma_wait3A_449, %dma_wait3A_450] : memref<2x2x200x64xf32, #tpu.memory_space<vmem>> -> memref<1x2x200x64xf32, #tpu.memory_space<vmem>>
    %dma_wait3A_452 = tpu.memref_squeeze %dma_wait3A_451 : memref<1x2x200x64xf32, #tpu.memory_space<vmem>> -> memref<2x200x64xf32, #tpu.memory_space<vmem>>
    %dma_wait3A_453 = arith.constant 0 : i32
    %dma_wait3A_454 = arith.constant 0 : i32
    %dma_wait3A_455 = tpu.memref_slice %dma_wait3A_452[%dma_wait3A_447, %dma_wait3A_453, %dma_wait3A_454] : memref<2x200x64xf32, #tpu.memory_space<vmem>> -> memref<1x200x64xf32, #tpu.memory_space<vmem>>
    %dma_wait3A_456 = tpu.memref_squeeze %dma_wait3A_455 : memref<1x200x64xf32, #tpu.memory_space<vmem>> -> memref<200x64xf32, #tpu.memory_space<vmem>>
    %dma_wait3A_457 = arith.constant 0 : i32
    %dma_wait3A_458 = arith.constant 0 : i32
    %dma_wait3A_459 = tpu.memref_slice %dma_wait3A_456[%dma_wait3A_457, %dma_wait3A_458] : memref<200x64xf32, #tpu.memory_space<vmem>> -> memref<100x64xf32, #tpu.memory_space<vmem>>
    %dma_wait3A_460 = arith.constant 0 : i32
    %dma_wait3A_461 = arith.constant 0 : i32
    %dma_wait3A_462 = tpu.memref_slice %arg4[%dma_wait3A_445, %dma_wait3A_460, %dma_wait3A_461] : memref<4096x200x128xf32, #tpu.memory_space<hbm>> -> memref<1x200x128xf32, #tpu.memory_space<hbm>>
    %dma_wait3A_463 = tpu.memref_squeeze %dma_wait3A_462 : memref<1x200x128xf32, #tpu.memory_space<hbm>> -> memref<200x128xf32, #tpu.memory_space<hbm>>
    %dma_wait3A_464 = arith.constant 0 : i32
    %dma_wait3A_465 = arith.constant 0 : i32
    %dma_wait3A_466 = tpu.memref_slice %dma_wait3A_463[%dma_wait3A_464, %dma_wait3A_465] : memref<200x128xf32, #tpu.memory_space<hbm>> -> memref<100x64xf32, #tpu.memory_space<hbm>>
    %dma_wait3A_467 = arith.constant 0 : i32
    %dma_wait3A_468 = arith.constant 0 : i32
    %dma_wait3A_469 = arith.constant 0 : i32
    %dma_wait3A_470 = tpu.memref_slice %arg6[%dma_wait3A_446, %dma_wait3A_467, %dma_wait3A_468, %dma_wait3A_469] : memref<2x2x200x64xf32, #tpu.memory_space<vmem>> -> memref<1x2x200x64xf32, #tpu.memory_space<vmem>>
    %dma_wait3A_471 = tpu.memref_squeeze %dma_wait3A_470 : memref<1x2x200x64xf32, #tpu.memory_space<vmem>> -> memref<2x200x64xf32, #tpu.memory_space<vmem>>
    %dma_wait3A_472 = arith.constant 0 : i32
    %dma_wait3A_473 = arith.constant 0 : i32
    %dma_wait3A_474 = tpu.memref_slice %dma_wait3A_471[%dma_wait3A_447, %dma_wait3A_472, %dma_wait3A_473] : memref<2x200x64xf32, #tpu.memory_space<vmem>> -> memref<1x200x64xf32, #tpu.memory_space<vmem>>
    %dma_wait3A_475 = tpu.memref_squeeze %dma_wait3A_474 : memref<1x200x64xf32, #tpu.memory_space<vmem>> -> memref<200x64xf32, #tpu.memory_space<vmem>>
    %dma_wait3A_476 = arith.constant 0 : i32
    %dma_wait3A_477 = arith.constant 0 : i32
    %dma_wait3A_478 = tpu.memref_slice %dma_wait3A_475[%dma_wait3A_476, %dma_wait3A_477] : memref<200x64xf32, #tpu.memory_space<vmem>> -> memref<100x64xf32, #tpu.memory_space<vmem>>
    %dma_wait3A_479 = arith.constant 0 : i32
    %dma_wait3A_480 = arith.constant 0 : i32
    %dma_wait3A_481 = tpu.memref_slice %arg4[%dma_wait3A_445, %dma_wait3A_479, %dma_wait3A_480] : memref<4096x200x128xf32, #tpu.memory_space<hbm>> -> memref<1x200x128xf32, #tpu.memory_space<hbm>>
    %dma_wait3A_482 = tpu.memref_squeeze %dma_wait3A_481 : memref<1x200x128xf32, #tpu.memory_space<hbm>> -> memref<200x128xf32, #tpu.memory_space<hbm>>
    %dma_wait3A_483 = arith.constant 0 : i32
    %dma_wait3A_484 = arith.constant 0 : i32
    %dma_wait3A_485 = tpu.memref_slice %dma_wait3A_482[%dma_wait3A_483, %dma_wait3A_484] : memref<200x128xf32, #tpu.memory_space<hbm>> -> memref<100x64xf32, #tpu.memory_space<hbm>>
    tpu.wait_dma2 semaphore(%arg9 : memref<!tpu.dma_semaphore, #tpu.memory_space<semaphore_mem>>) src(%dma_wait3A_485 : memref<100x64xf32, #tpu.memory_space<hbm>>) dst(%dma_wait3A_478 : memref<100x64xf32, #tpu.memory_space<vmem>>)
    %dma_wait3A_486 = arith.constant 0 : i32
    %dma_wait3A_487 = arith.constant 1 : i32
    %dma_wait3A_488 = arith.constant 0 : i32
    %dma_wait3A_489 = arith.constant 0 : i32
    %dma_wait3A_490 = arith.constant 0 : i32
    %dma_wait3A_491 = arith.constant 0 : i32
    %dma_wait3A_492 = tpu.memref_slice %arg6[%dma_wait3A_487, %dma_wait3A_489, %dma_wait3A_490, %dma_wait3A_491] : memref<2x2x200x64xf32, #tpu.memory_space<vmem>> -> memref<1x2x200x64xf32, #tpu.memory_space<vmem>>
    %dma_wait3A_493 = tpu.memref_squeeze %dma_wait3A_492 : memref<1x2x200x64xf32, #tpu.memory_space<vmem>> -> memref<2x200x64xf32, #tpu.memory_space<vmem>>
    %dma_wait3A_494 = arith.constant 0 : i32
    %dma_wait3A_495 = arith.constant 0 : i32
    %dma_wait3A_496 = tpu.memref_slice %dma_wait3A_493[%dma_wait3A_488, %dma_wait3A_494, %dma_wait3A_495] : memref<2x200x64xf32, #tpu.memory_space<vmem>> -> memref<1x200x64xf32, #tpu.memory_space<vmem>>
    %dma_wait3A_497 = tpu.memref_squeeze %dma_wait3A_496 : memref<1x200x64xf32, #tpu.memory_space<vmem>> -> memref<200x64xf32, #tpu.memory_space<vmem>>
    %dma_wait3A_498 = arith.constant 0 : i32
    %dma_wait3A_499 = arith.constant 0 : i32
    %dma_wait3A_500 = tpu.memref_slice %dma_wait3A_497[%dma_wait3A_498, %dma_wait3A_499] : memref<200x64xf32, #tpu.memory_space<vmem>> -> memref<100x64xf32, #tpu.memory_space<vmem>>
    %dma_wait3A_501 = arith.constant 0 : i32
    %dma_wait3A_502 = arith.constant 0 : i32
    %dma_wait3A_503 = tpu.memref_slice %arg4[%dma_wait3A_486, %dma_wait3A_501, %dma_wait3A_502] : memref<4096x200x128xf32, #tpu.memory_space<hbm>> -> memref<1x200x128xf32, #tpu.memory_space<hbm>>
    %dma_wait3A_504 = tpu.memref_squeeze %dma_wait3A_503 : memref<1x200x128xf32, #tpu.memory_space<hbm>> -> memref<200x128xf32, #tpu.memory_space<hbm>>
    %dma_wait3A_505 = arith.constant 0 : i32
    %dma_wait3A_506 = arith.constant 0 : i32
    %dma_wait3A_507 = tpu.memref_slice %dma_wait3A_504[%dma_wait3A_505, %dma_wait3A_506] : memref<200x128xf32, #tpu.memory_space<hbm>> -> memref<100x64xf32, #tpu.memory_space<hbm>>
    %dma_wait3A_508 = arith.constant 0 : i32
    %dma_wait3A_509 = arith.constant 0 : i32
    %dma_wait3A_510 = arith.constant 0 : i32
    %dma_wait3A_511 = tpu.memref_slice %arg6[%dma_wait3A_487, %dma_wait3A_508, %dma_wait3A_509, %dma_wait3A_510] : memref<2x2x200x64xf32, #tpu.memory_space<vmem>> -> memref<1x2x200x64xf32, #tpu.memory_space<vmem>>
    %dma_wait3A_512 = tpu.memref_squeeze %dma_wait3A_511 : memref<1x2x200x64xf32, #tpu.memory_space<vmem>> -> memref<2x200x64xf32, #tpu.memory_space<vmem>>
    %dma_wait3A_513 = arith.constant 0 : i32
    %dma_wait3A_514 = arith.constant 0 : i32
    %dma_wait3A_515 = tpu.memref_slice %dma_wait3A_512[%dma_wait3A_488, %dma_wait3A_513, %dma_wait3A_514] : memref<2x200x64xf32, #tpu.memory_space<vmem>> -> memref<1x200x64xf32, #tpu.memory_space<vmem>>
    %dma_wait3A_516 = tpu.memref_squeeze %dma_wait3A_515 : memref<1x200x64xf32, #tpu.memory_space<vmem>> -> memref<200x64xf32, #tpu.memory_space<vmem>>
    %dma_wait3A_517 = arith.constant 0 : i32
    %dma_wait3A_518 = arith.constant 0 : i32
    %dma_wait3A_519 = tpu.memref_slice %dma_wait3A_516[%dma_wait3A_517, %dma_wait3A_518] : memref<200x64xf32, #tpu.memory_space<vmem>> -> memref<100x64xf32, #tpu.memory_space<vmem>>
    %dma_wait3A_520 = arith.constant 0 : i32
    %dma_wait3A_521 = arith.constant 0 : i32
    %dma_wait3A_522 = tpu.memref_slice %arg4[%dma_wait3A_486, %dma_wait3A_520, %dma_wait3A_521] : memref<4096x200x128xf32, #tpu.memory_space<hbm>> -> memref<1x200x128xf32, #tpu.memory_space<hbm>>
    %dma_wait3A_523 = tpu.memref_squeeze %dma_wait3A_522 : memref<1x200x128xf32, #tpu.memory_space<hbm>> -> memref<200x128xf32, #tpu.memory_space<hbm>>
    %dma_wait3A_524 = arith.constant 0 : i32
    %dma_wait3A_525 = arith.constant 0 : i32
    %dma_wait3A_526 = tpu.memref_slice %dma_wait3A_523[%dma_wait3A_524, %dma_wait3A_525] : memref<200x128xf32, #tpu.memory_space<hbm>> -> memref<100x64xf32, #tpu.memory_space<hbm>>
    tpu.wait_dma2 semaphore(%arg9 : memref<!tpu.dma_semaphore, #tpu.memory_space<semaphore_mem>>) src(%dma_wait3A_526 : memref<100x64xf32, #tpu.memory_space<hbm>>) dst(%dma_wait3A_519 : memref<100x64xf32, #tpu.memory_space<vmem>>)
    %add3A_527 = arith.constant 126 : i32
    %add3A_528 = arith.addi %mul3A_2, %add3A_527 : i32
    %dma_start3A_529 = arith.constant 1 : i32
    %dma_start3A_530 = arith.constant 0 : i32
    %dma_start3A_531 = arith.constant 0 : i32
    %dma_start3A_532 = arith.constant 0 : i32
    %dma_start3A_533 = tpu.memref_slice %arg6[%dma_start3A_529, %dma_start3A_530, %dma_start3A_531, %dma_start3A_532] : memref<2x2x200x64xf32, #tpu.memory_space<vmem>> -> memref<1x2x200x64xf32, #tpu.memory_space<vmem>>
    %dma_start3A_534 = tpu.memref_squeeze %dma_start3A_533 : memref<1x2x200x64xf32, #tpu.memory_space<vmem>> -> memref<2x200x64xf32, #tpu.memory_space<vmem>>
    %dma_start3A_535 = arith.constant 0 : i32
    %dma_start3A_536 = arith.constant 0 : i32
    %dma_start3A_537 = tpu.memref_slice %arg4[%add3A_528, %dma_start3A_535, %dma_start3A_536] : memref<4096x200x128xf32, #tpu.memory_space<hbm>> -> memref<2x200x64xf32, #tpu.memory_space<hbm>>
    %dma_start3A_538 = arith.constant 0 : i32
    %dma_start3A_539 = arith.constant 0 : i32
    %dma_start3A_540 = tpu.memref_slice %arg4[%add3A_528, %dma_start3A_538, %dma_start3A_539] : memref<4096x200x128xf32, #tpu.memory_space<hbm>> -> memref<2x200x64xf32, #tpu.memory_space<hbm>>
    %dma_start3A_541 = arith.constant 0 : i32
    %dma_start3A_542 = arith.constant 0 : i32
    %dma_start3A_543 = arith.constant 0 : i32
    %dma_start3A_544 = tpu.memref_slice %arg6[%dma_start3A_529, %dma_start3A_541, %dma_start3A_542, %dma_start3A_543] : memref<2x2x200x64xf32, #tpu.memory_space<vmem>> -> memref<1x2x200x64xf32, #tpu.memory_space<vmem>>
    %dma_start3A_545 = tpu.memref_squeeze %dma_start3A_544 : memref<1x2x200x64xf32, #tpu.memory_space<vmem>> -> memref<2x200x64xf32, #tpu.memory_space<vmem>>
    tpu.enqueue_dma source(%dma_start3A_545 : memref<2x200x64xf32, #tpu.memory_space<vmem>>) target(%dma_start3A_540 : memref<2x200x64xf32, #tpu.memory_space<hbm>>) target_semaphore(%arg11 : memref<!tpu.dma_semaphore, #tpu.memory_space<semaphore_mem>>)
    %dma_wait3A_546 = arith.constant 0 : i32
    %dma_wait3A_547 = arith.constant 0 : i32
    %dma_wait3A_548 = arith.constant 0 : i32
    %dma_wait3A_549 = arith.constant 0 : i32
    %dma_wait3A_550 = tpu.memref_slice %arg6[%dma_wait3A_546, %dma_wait3A_547, %dma_wait3A_548, %dma_wait3A_549] : memref<2x2x200x64xf32, #tpu.memory_space<vmem>> -> memref<1x2x200x64xf32, #tpu.memory_space<vmem>>
    %dma_wait3A_551 = tpu.memref_squeeze %dma_wait3A_550 : memref<1x2x200x64xf32, #tpu.memory_space<vmem>> -> memref<2x200x64xf32, #tpu.memory_space<vmem>>
    %dma_wait3A_552 = arith.constant 0 : i32
    %dma_wait3A_553 = arith.constant 0 : i32
    %dma_wait3A_554 = arith.constant 0 : i32
    %dma_wait3A_555 = tpu.memref_slice %arg4[%dma_wait3A_552, %dma_wait3A_553, %dma_wait3A_554] : memref<4096x200x128xf32, #tpu.memory_space<hbm>> -> memref<2x200x64xf32, #tpu.memory_space<hbm>>
    %dma_wait3A_556 = arith.constant 0 : i32
    %dma_wait3A_557 = arith.constant 0 : i32
    %dma_wait3A_558 = arith.constant 0 : i32
    %dma_wait3A_559 = tpu.memref_slice %arg6[%dma_wait3A_546, %dma_wait3A_556, %dma_wait3A_557, %dma_wait3A_558] : memref<2x2x200x64xf32, #tpu.memory_space<vmem>> -> memref<1x2x200x64xf32, #tpu.memory_space<vmem>>
    %dma_wait3A_560 = tpu.memref_squeeze %dma_wait3A_559 : memref<1x2x200x64xf32, #tpu.memory_space<vmem>> -> memref<2x200x64xf32, #tpu.memory_space<vmem>>
    %dma_wait3A_561 = arith.constant 0 : i32
    %dma_wait3A_562 = arith.constant 0 : i32
    %dma_wait3A_563 = arith.constant 0 : i32
    %dma_wait3A_564 = tpu.memref_slice %arg4[%dma_wait3A_561, %dma_wait3A_562, %dma_wait3A_563] : memref<4096x200x128xf32, #tpu.memory_space<hbm>> -> memref<2x200x64xf32, #tpu.memory_space<hbm>>
    tpu.wait_dma2 semaphore(%arg10 : memref<!tpu.dma_semaphore, #tpu.memory_space<semaphore_mem>>) src(%dma_wait3A_564 : memref<2x200x64xf32, #tpu.memory_space<hbm>>) dst(%dma_wait3A_560 : memref<2x200x64xf32, #tpu.memory_space<vmem>>)
    %dma_wait3A_565 = arith.constant 1 : i32
    %dma_wait3A_566 = arith.constant 0 : i32
    %dma_wait3A_567 = arith.constant 0 : i32
    %dma_wait3A_568 = arith.constant 0 : i32
    %dma_wait3A_569 = tpu.memref_slice %arg6[%dma_wait3A_565, %dma_wait3A_566, %dma_wait3A_567, %dma_wait3A_568] : memref<2x2x200x64xf32, #tpu.memory_space<vmem>> -> memref<1x2x200x64xf32, #tpu.memory_space<vmem>>
    %dma_wait3A_570 = tpu.memref_squeeze %dma_wait3A_569 : memref<1x2x200x64xf32, #tpu.memory_space<vmem>> -> memref<2x200x64xf32, #tpu.memory_space<vmem>>
    %dma_wait3A_571 = arith.constant 0 : i32
    %dma_wait3A_572 = arith.constant 0 : i32
    %dma_wait3A_573 = arith.constant 0 : i32
    %dma_wait3A_574 = tpu.memref_slice %arg4[%dma_wait3A_571, %dma_wait3A_572, %dma_wait3A_573] : memref<4096x200x128xf32, #tpu.memory_space<hbm>> -> memref<2x200x64xf32, #tpu.memory_space<hbm>>
    %dma_wait3A_575 = arith.constant 0 : i32
    %dma_wait3A_576 = arith.constant 0 : i32
    %dma_wait3A_577 = arith.constant 0 : i32
    %dma_wait3A_578 = tpu.memref_slice %arg6[%dma_wait3A_565, %dma_wait3A_575, %dma_wait3A_576, %dma_wait3A_577] : memref<2x2x200x64xf32, #tpu.memory_space<vmem>> -> memref<1x2x200x64xf32, #tpu.memory_space<vmem>>
    %dma_wait3A_579 = tpu.memref_squeeze %dma_wait3A_578 : memref<1x2x200x64xf32, #tpu.memory_space<vmem>> -> memref<2x200x64xf32, #tpu.memory_space<vmem>>
    %dma_wait3A_580 = arith.constant 0 : i32
    %dma_wait3A_581 = arith.constant 0 : i32
    %dma_wait3A_582 = arith.constant 0 : i32
    %dma_wait3A_583 = tpu.memref_slice %arg4[%dma_wait3A_580, %dma_wait3A_581, %dma_wait3A_582] : memref<4096x200x128xf32, #tpu.memory_space<hbm>> -> memref<2x200x64xf32, #tpu.memory_space<hbm>>
    tpu.wait_dma2 semaphore(%arg11 : memref<!tpu.dma_semaphore, #tpu.memory_space<semaphore_mem>>) src(%dma_wait3A_583 : memref<2x200x64xf32, #tpu.memory_space<hbm>>) dst(%dma_wait3A_579 : memref<2x200x64xf32, #tpu.memory_space<vmem>>)
    return
  }
}

</mosaic_0001>

<sc_bundles>
// kernel: kernel.3.cloned.1.call-start
scs
__scs_entry_jumppad:
0x0: {  	(pc) =	sbr.rel $0x88, $3  }
0x1: {  	(tag) =	ssettag $0x0;
	lr =	simm.s32 $0x1  }
0x2: {  	[smem:$0x3F9F] =	sst lr;
	_ =	strace $0xD0000000  }
0x3: {  	_ = 	snop  }
0x4: {  	_ = 	snop  }
0x5: {  	_ = 	snop  }
0x6: {  	_ = 	snop  }
0x7: {  	_ = 	snop  }
__scs_overlays_trampoline_lowered:
0x8: {  	[smem:$0x3FAE] =	sst s0  }
0x9: {  	[smem:$0x3FAF] =	sst s1  }
0xa: {  	[smem:$0x3FB0] =	sst s2  }
0xb: {  	[smem:$0x3FB1] =	sst s3  }
0xc: {  	[smem:$0x3FB2] =	sst s4  }
0xd: {  	[smem:$0x3FB3] =	sst s5  }
0xe: {  	[smem:$0x3FB4] =	sst s6  }
0xf: {  	[smem:$0x3FB5] =	sst s7  }
0x10: {  	[smem:$0x3FB6] =	sst s8  }
0x11: {  	[smem:$0x3FB7] =	sst s9;
	s0 =	simm.s32 @!p0 $0x0  }
0x12: {  	s1 =	sld [smem:$0x3F9D];
	s0 =	simm.s32 @p0 $0x1  }
0x13: {  	[smem:$0x3FB8] =	sst s0;
	s0 =	simm.s32 @!p1 $0x0  }
0x14: {  	s2 =	sld [smem:$0x3F9C];
	s0 =	simm.s32 @p1 $0x1  }
0x15: {  	[smem:$0x3FB9] =	sst s0;
	s0 =	simm.s32 @!p2 $0x0  }
0x16: {  	s3 =	sld [smem:$0x3FDB];
	s0 =	simm.s32 @p2 $0x1  }
0x17: {  	s4 =	simm.s32 $0x1BF5;
	[smem:$0x3FBB] =	sst s0  }
0x18: {  	s0 =	sld [smem:$0x3F9E];
	_ =	swait.ge [sflag:s4], $0x0  }
0x19: {  	s7 =	sld [smem:$0x3F9F]  }
0x1a: {  	s8 =	sadd.s32 $0xFFFFE003, lr  }
0x1b: {  	s9 =	sadd.s32 $0xFFFFFEF7, lr;
	s5 =	simm.s32 $0xFFFFFFFF;
	p2 =	slt.u32 s8, $0xFFFFF086  }
0x1c: {  	p1 =	slt.u32 s9, $0xF7A;
	s5 =	simm.s32 @!p2 $0x0  }
0x1d: {  	s5 =	simm.s32 @p1 $0x1;
	p0 =	seq.s32 s7, s2  }
0x1e: {  	s7 =	smul.u32 @!p0 $0xF7A, s2;
	p2 =	seq.s32 @!p0 s5, $0x0  }
0x1f: {  	s9 =	smul.u32 $0xF7A, s1;
	s8 =	simm.s32 @!p0 $0x1BF5;
	p2 =	por !p2, p0  }
0x20: {  	[sflag:s8] =	ssyncset.s32 @!p0 $0xFFFFF086;
	s6 =	sadd.s32 @!p0 s3, s7;
	s7 =	simm.s32 @!p0 $0x108  }
0x21: {  	s3 =	sadd.s32 s3, s9;
	s6 =	sadd.s32 @!p0 $0x88, s6;
	s7 =	simm.s32 @p2 $0x1082  }
0x22: {  	[simem:s7], [sflag:s8] =	dma.local @!p0 [hbm:s6], $0xF7A  }
0x23: {  	s9 =	sor.u32 $0xD0000000, s2;
	s6 =	simm.s32 $0x108;
	_ =	swait.ge @!p0 [sflag:s8], $0x0  }
0x24: {  	s3 =	sadd.s32 $0x88, s3;
	s6 =	simm.s32 @!p1 $0x1082;
	[sflag:s4] =	ssyncset.s32 $0xFFFFF086  }
0x25: {  	[simem:s6], [sflag:s4] =	dma.local [hbm:s3], $0xF7A  }
0x26: {  	[smem:$0x3F9F] =	sst s1;
	(tag) =	ssettag s2;
	_ =	strace s9  }
0x27: {  	s1 =	sld [smem:$0x3FAF]  }
0x28: {  	s2 =	sld [smem:$0x3FB0]  }
0x29: {  	s4 =	sld [smem:$0x3FB2]  }
0x2a: {  	p0 =	seq.s32 s5, $0x0;
	s5 =	sld [smem:$0x3FB3]  }
0x2b: {  	s6 =	sld [smem:$0x3FB4]  }
0x2c: {  	s7 =	sld [smem:$0x3FB5]  }
0x2d: {  	s3 =	simm.s32 $0x108;
	s8 =	sld [smem:$0x3FB6]  }
0x2e: {  	s3 =	simm.s32 @!p0 $0x1082;
	s9 =	sld [smem:$0x3FB7]  }
0x2f: {  	lr =	sadd.s32 s0, s3;
	s0 =	sld [smem:$0x3FAE]  }
0x30: {  	s3 =	sld [smem:$0x3FB1]  }
0x31: {  	[smem:$0x3FBA] =	sst s10  }
0x32: {  	s10 =	sld [smem:$0x3FB8];
	_ =	sdelay $0x3  }
0x33: {  	p0 =	seq.s32 s10, $0x1;
	s10 =	sld [smem:$0x3FBA];
	_ =	sdelay $0x3  }
0x34: {  	[smem:$0x3FBA] =	sst s10  }
0x35: {  	s10 =	sld [smem:$0x3FB9];
	_ =	sdelay $0x3  }
0x36: {  	p1 =	seq.s32 s10, $0x1;
	s10 =	sld [smem:$0x3FBA];
	_ =	sdelay $0x3  }
0x37: {  	[smem:$0x3FBA] =	sst s10  }
0x38: {  	s10 =	sld [smem:$0x3FBB]  }
0x39: {  	_ = 	snop;
	(pc) =	sbr.ind lr, $3  }
0x3a: {  	_ = 	snop  }
0x3b: {  	_ = 	snop  }
0x3c: {  	p2 =	seq.s32 s10, $0x1;
	s10 =	sld [smem:$0x3FBA]  }
0x3d: {  	_ =	shalt  }
0x3e: {  	_ =	shalt  }
0x3f: {  	_ =	shalt  }
0x40: {  	_ =	shalt  }
0x41: {  	_ =	shalt  }
0x42: {  	_ =	shalt  }
0x43: {  	_ =	shalt  }
0x44: {  	_ =	shalt  }
0x45: {  	_ =	shalt  }
0x46: {  	_ =	shalt  }
0x47: {  	_ =	shalt  }
0x48: {  	_ =	shalt  }
0x49: {  	_ =	shalt  }
0x4a: {  	_ =	shalt  }
0x4b: {  	_ =	shalt  }
0x4c: {  	_ =	shalt  }
0x4d: {  	_ =	shalt  }
0x4e: {  	_ =	shalt  }
0x4f: {  	_ =	shalt  }
0x50: {  	_ =	shalt  }
0x51: {  	_ =	shalt  }
0x52: {  	_ =	shalt  }
0x53: {  	_ =	shalt  }
0x54: {  	_ =	shalt  }
0x55: {  	_ =	shalt  }
0x56: {  	_ =	shalt  }
0x57: {  	_ =	shalt  }
0x58: {  	_ =	shalt  }
0x59: {  	_ =	shalt  }
0x5a: {  	_ =	shalt  }
0x5b: {  	_ =	shalt  }
0x5c: {  	_ =	shalt  }
0x5d: {  	_ =	shalt  }
0x5e: {  	_ =	shalt  }
0x5f: {  	_ =	shalt  }
0x60: {  	_ =	shalt  }
0x61: {  	_ =	shalt  }
0x62: {  	_ =	shalt  }
0x63: {  	_ =	shalt  }
0x64: {  	_ =	shalt  }
0x65: {  	_ =	shalt  }
0x66: {  	_ =	shalt  }
0x67: {  	_ =	shalt  }
0x68: {  	_ =	shalt  }
0x69: {  	_ =	shalt  }
0x6a: {  	_ =	shalt  }
0x6b: {  	_ =	shalt  }
0x6c: {  	_ =	shalt  }
0x6d: {  	_ =	shalt  }
0x6e: {  	_ =	shalt  }
0x6f: {  	_ =	shalt  }
0x70: {  	_ =	shalt  }
0x71: {  	_ =	shalt  }
0x72: {  	_ =	shalt  }
0x73: {  	_ =	shalt  }
0x74: {  	_ =	shalt  }
0x75: {  	_ =	shalt  }
0x76: {  	_ =	shalt  }
0x77: {  	_ =	shalt  }
0x78: {  	_ =	shalt  }
0x79: {  	_ =	shalt  }
0x7a: {  	_ =	shalt  }
0x7b: {  	_ =	shalt  }
0x7c: {  	_ =	shalt  }
0x7d: {  	_ =	shalt  }
0x7e: {  	_ =	shalt  }
0x7f: {  	_ =	shalt  }
0x80: {  	_ =	shalt  }
0x81: {  	_ =	shalt  }
0x82: {  	_ =	shalt  }
0x83: {  	_ =	shalt  }
0x84: {  	_ =	shalt  }
0x85: {  	_ =	shalt  }
0x86: {  	_ =	shalt  }
0x87: {  	_ =	shalt  }
.Lfunc_end0:
.L_simem_size_0:
called_computation.1_lowered:
.L_overlay_start_0:
0x88: {  	s2 =	sld [smem:$0x3FD9]  }
0x89: {  	s3 =	sld [smem:$0x3FFE];
	_ =	sdelay $0x1  }
0x8a: {  	s1 =	srdreg.scid  }
0x8b: {  	s0 =	sand.u32 $0x1, s1  }
0x8c: {  	s17 =	sshll.u32 s0, $0xA;
	s2 =	sadd.s32 s3, s2  }
0x8d: {  	s2 =	sadd.s32 s2, s17  }
0x8e: {  	[smem:$0x3FC6] =	sst s2  }
0x8f: {  	_ = 	snop  }
0x90: {  	s2 =	sld [smem:$0x3FD0];
	(tm) =	ssettm $0x1  }
0x91: {  	s18 =	sld [smem:$0x3FFB];
	_ =	sdelay $0x3  }
0x92: {  	_ =	strace s18  }
0x93: {  	s3 =	sld [smem:$0x3FFC];
	_ =	sdelay $0x3  }
0x94: {  	_ =	strace s3  }
0x95: {  	s3 =	sld [smem:$0x3FFD];
	_ =	sdelay $0x3  }
0x96: {  	_ =	strace s3  }
0x97: {  	_ =	strace $0x8FFFFFFF  }
0x98: {  	s19 =	sld [smem:$0x3FDB];
	_ =	sdelay $0x1  }
0x99: {  	s4 =	simm.s32 $_scs_section_size  }
0x9a: {  	s5 =	simm.s32 $_size__tile_overlayer_lowered;
	s6 =	simm.s32 $_tile_overlayer_lowered  }
0x9b: {  	s22 =	simm.s32 $0x1BFF;
	s21 =	sshll.u32 s6, $0x1;
	s3 =	sadd.s32 s4, s19  }
0x9c: {  	s7 =	simm.s32 $0x0;
	s20 =	sshll.u32 s5, $0x1;
	s5 =	sadd.s32 s21, s3  }
0x9d: {  	[timem:s7], [sflag:s22] =	dma.local [hbm:s5], s20  }
0x9e: {  	_ =	swait.ge [sflag:s22], s20  }
0x9f: {  	s4 =	ssub.s32 $0x0, s20;
	[sflag:s22] =	ssyncset.done $0x0  }
0xa0: {  	[sflag:s22] =	ssyncadd.s32 s4;
	_ =	sdelay $0x1  }
0xa1: {  	s23 =	simm.s32 $0x1B8B  }
0xa2: {  	_ =	swait.ge [sflag:s23], $0x1  }
0xa3: {  	[sflag:s23] =	ssyncset.done $0x0  }
0xa4: {  	s25 =	simm.s32 $0x1B8E;
	s24 =	sld [smem:$0x3FFE];
	[sflag:s23] =	ssyncadd.s32 $0xFFFFFFFF  }
0xa5: {  	s26 =	simm.s32 $execute0_lowered;
	[smem:$0x3FD2] =	sst s25  }
0xa6: {  	s5 =	sshll.u32 s26, $0x1;
	_ =	strace $0x80000046;
	[dreg:$0x1] =	wrdreg $0xFFFFFFFF  }
0xa7: {  	s28 =	simm.s32 $_size_execute0_lowered;
	s3 =	sadd.s32 s3, s5;
	[dreg:$0x0] =	wrdreg $0x0  }
0xa8: {  	s5 =	sshll.u32 s28, $0x1;
	[dreg:$0x2] =	wrdreg s3  }
0xa9: {  	[dreg:$0x3] =	wrdreg s5  }
0xaa: {  	[dreg:$0x4] =	wrdreg $0xC0  }
0xab: {  	_ =	task [dreg:s7], $0x5FFFF  }
0xac: {  	[dreg:$0x1] =	wrdreg $0xFFFFFFFF  }
0xad: {  	[dreg:$0x0] =	wrdreg $0x60  }
0xae: {  	[dreg:$0x2] =	wrdreg s24  }
0xaf: {  	[dreg:$0x3] =	wrdreg s2  }
0xb0: {  	[dreg:$0x4] =	wrdreg $0x130000  }
0xb1: {  	[dreg:$0x5] =	wrdreg $0x9  }
0xb2: {  	_ =	task.clear_ibuf [dreg:s7], $0x6FFFF;
	_ =	strace $0x90000046  }
0xb3: {  	s29 =	simm.s32 $0x9;
	_ =	strace $0x80000048  }
0xb4: {  	_ =	swait.ge [sflag:s29], $0x1  }
0xb5: {  	[sflag:s29] =	ssyncadd.s32 $0xFFFFFFFF  }
0xb6: {  	_ =	strace $0x90000048  }
0xb7: {  	_ =	sfence  }
0xb8: {  	s30 =	sld [smem:$0x0];
	_ =	sdelay $0x2  }
0xb9: {  	s31 =	sshll.u32 s1, $0xD;
	s1 =	sshrl.u32 s1, $0x2  }
0xba: {  	s3 =	sand.u32 $0x4000, s31;
	s1 =	sadd.s32 s1, s30  }
0xbb: {  	s0 =	sor.u32 s3, s0;
	s1 =	sshll.u32 s1, $0x11  }
0xbc: {  	s0 =	sor.u32 s1, s0  }
0xbd: {  	s0 =	sadd.s32 $0x8F2B, s0  }
0xbe: {  	[sflag:s0] =	ssyncadd.remote.s32 $0x1  }
0xbf: {  	_ =	sfence.sel $0xFFFF  }
0xc0: {  	[dreg:$0x0] =	wrdreg $0xFFFFFFFF;
	(pc) =	sbr.abs _section_cstart, $3  }
0xc1: {  	[dreg:$0x1] =	wrdreg $0xFFFFFFFF  }
0xc2: {  	_ =	task.clear_ibuf [dreg:s7], $0x2FFFF;
	_ =	strace $0x9FFFFFFF  }
0xc3: {  	(tm) =	ssettm $0x7FFFFFFF  }
tec
execute0_lowered:
.L_overlay_start_1:
0x0: {  	(tag) =	ssettag $0x1  }
0x1: {  	s0 =	rddreg [dreg:$0x0]  }
0x2: {  	s4 =	rddreg [dreg:$0x1];
	s2 =	srdreg.scid  }
0x3: {  	s7 =	stileid.u32;
	s1 =	rddreg [dreg:$0x2]  }
0x4: {  	s12 =	simm.s32 $0x6800;
	s14 =	simm.s32 $0x8100;
	s16 =	simm.s32 $0x9A00  }
0x5: {  	s18 =	simm.s32 $0xB300;
	s19 =	simm.s32 $0x1;
	s20 =	simm.s32 $0x40  }
0x6: {  	s21 =	simm.s32 $0x80;
	s23 =	simm.s32 $0xCC00;
	s28 =	simm.s32 $0xFE00  }
0x7: {  	s29 =	simm.s32 $0x2D8;
	s30 =	simm.s32 $0x11700;
	s31 =	simm.s32 $0x2  }
0x8: {  	s13 =	simm.s32 $0x4;
	s15 =	simm.s32 $0x0;
	s5 =	sand.u32 $0x1, s2  }
0x9: {  	s3 =	sshll.u32 s7, $0x1;
	s2 =	simm.s32 $0x0;
	s25 =	smul.u32 $0xC8000, s7  }
0xa: {  	p0 =	sne.s32 s7, $0x0;
	s6 =	sor.u32 s5, s3;
	s26 =	smul.u32 $0x64000, s5  }
0xb: {  	[smem:$0x7FF] =	sst s2;
	s9 =	ssub.s32 $0x2, s5;
	s8 =	smul.u32 $0xD00, s6  }
0xc: {  	s3 =	sadd.s32 $0x800, s0;
	s0 =	sadd.s32 $0x2800, s0;
	s10 =	smul.u32 $0x64000, s6  }
0xd: {  	_ =	strace $0x80000047;
	s11 =	sshrl.u32 s9, $0x1;
	s6 =	smul.u32 $0x320000, s6  }
0xe: {  	s9 =	ssub.s32 s9, s11;
	s11 =	simm.s32 $0x64;
	s4 =	sadd.s32 s4, s8  }
0xf: {  	s6 =	sshrl.u32 s6, $0x3;
	s5 =	sadd.s32 s0, s10;
	s7 =	smax.u32 s9, $0x1  }
0x10: {  	s9 =	sshrl.u32 @!p0 s1, $0x3;
	s6 =	sadd.s32 s0, s6;
	s0 =	sadd.s32 s25, s0  }
0x11: {  	s10 =	simm.s32 $0x5;
	s25 =	simm.s32 $0xE500;
	s0 =	sadd.s32 s26, s0  }
0x12: {  	s6 =	sadd.s32 $0x62700, s6;
	s8 =	sadd.s32 $0x3200, s0;
	s0 =	simm.s32 $0x3  }
.LBB2_1:
0x13: {  	s17 =	simm.s32 @!p0 $0x1C05  }
0x14: {  	[spmem:s9], [sflag:s17] =	dma.local @!p0 [hbm:s3], $0x1F48  }
0x15: {  	s17 =	simm.s32 @!p0 $0x5  }
0x16: {  	_ =	swait.ge @!p0 [sflag:s17], $0x1F48  }
0x17: {  	[sflag:s17] =	ssyncset.done @!p0 $0x0  }
0x18: {  	[sflag:s17] =	ssyncadd.s32 @!p0 $0xFFFFE0B8  }
0x19: {  	[tilespmem:s2], [sflag:$0x5] =	stream.linear.gather [hbm4b:s4+s2], $0x6800, $0x38;
	[tilespmem:$0x13FA8] =	vst v63  }
0x1a: {  	_ =	swait.ge [sflag:s10], $0x6800  }
0x1b: {  	[sflag:s10] =	ssyncset.done $0x0  }
0x1c: {  	[sflag:s10] =	ssyncadd.s32 $0xFFFF9800  }
0x1d: {  	[bflag:$0x0] =	sbarrier.arrive $0xFFFF  }
0x1e: {  	[tilespmem:s12], [sflag:$0x1] =	stream.indirect.gather [spmem:s1], $0x40, s2, s11, $0xb8;
	[tilespmem:$0x13FA8] =	vst v63  }
0x1f: {  	s24 =	simm.s32 $0x68  }
0x20: {  	[tilespmem:s14], [sflag:$0x1] =	stream.indirect.gather [spmem:s1], $0x40, s24, s11, $0xb8;
	[tilespmem:$0x13FA8] =	vst v63  }
0x21: {  	s26 =	simm.s32 $0xD0  }
0x22: {  	[tilespmem:s16], [sflag:$0x1] =	stream.indirect.gather [spmem:s1], $0x40, s26, s11, $0xb8;
	[tilespmem:$0x13FA8] =	vst v63  }
0x23: {  	s22 =	simm.s32 $0x138  }
0x24: {  	[tilespmem:s18], [sflag:$0x1] =	stream.indirect.gather [spmem:s1], $0x40, s22, s11, $0xb8;
	[tilespmem:$0x13FA8] =	vst v63  }
0x25: {  	_ =	swait.ge [sflag:s19], $0x1900  }
0x26: {  	[sflag:s19] =	ssyncset.done $0x0  }
0x27: {  	[sflag:s19] =	ssyncadd.s32 $0xFFFFE700  }
0x28: {  	_ =	swait.ge [sflag:s19], $0x1900  }
0x29: {  	[sflag:s19] =	ssyncset.done $0x0  }
0x2a: {  	[sflag:s19] =	ssyncadd.s32 $0xFFFFE700  }
0x2b: {  	_ =	swait.ge [sflag:s19], $0x1900  }
0x2c: {  	[sflag:s19] =	ssyncset.done $0x0  }
0x2d: {  	[sflag:s19] =	ssyncadd.s32 $0xFFFFE700  }
0x2e: {  	_ =	swait.ge [sflag:s19], $0x1900  }
0x2f: {  	[sflag:s19] =	ssyncset.done $0x0  }
0x30: {  	[sflag:s19] =	ssyncadd.s32 $0xFFFFE700  }
0x31: {  	[hbm4b:s5+s20] =	stream.strided.scatter [tilespmem:s12], [sflag:$0x3], $0x6400, s21, s20, $0x38;
	[tilespmem:$0x13FA8] =	vst v63  }
0x32: {  	s24 =	simm.s32 $0x1A0  }
0x33: {  	[tilespmem:s23], [sflag:$0x2] =	stream.indirect.gather [spmem:s1], $0x40, s24, s11, $0xb8;
	[tilespmem:$0x13FA8] =	vst v63  }
0x34: {  	s26 =	simm.s32 $0x208  }
0x35: {  	[tilespmem:s25], [sflag:$0x2] =	stream.indirect.gather [spmem:s1], $0x40, s26, s11, $0xb8;
	[tilespmem:$0x13FA8] =	vst v63  }
0x36: {  	s22 =	simm.s32 $0x270  }
0x37: {  	[tilespmem:s28], [sflag:$0x2] =	stream.indirect.gather [spmem:s1], $0x40, s22, s11, $0xb8;
	[tilespmem:$0x13FA8] =	vst v63  }
0x38: {  	_ = 	snop  }
0x39: {  	[tilespmem:s30], [sflag:$0x2] =	stream.indirect.gather [spmem:s1], $0x40, s29, s11, $0xb8;
	[tilespmem:$0x13FA8] =	vst v63  }
0x3a: {  	_ =	swait.ge [sflag:s31], $0x1900  }
0x3b: {  	[sflag:s31] =	ssyncset.done $0x0  }
0x3c: {  	[sflag:s31] =	ssyncadd.s32 $0xFFFFE700  }
0x3d: {  	_ =	swait.ge [sflag:s31], $0x1900  }
0x3e: {  	[sflag:s31] =	ssyncset.done $0x0  }
0x3f: {  	[sflag:s31] =	ssyncadd.s32 $0xFFFFE700  }
0x40: {  	_ =	swait.ge [sflag:s31], $0x1900  }
0x41: {  	[sflag:s31] =	ssyncset.done $0x0  }
0x42: {  	[sflag:s31] =	ssyncadd.s32 $0xFFFFE700  }
0x43: {  	_ =	swait.ge [sflag:s31], $0x1900  }
0x44: {  	[sflag:s31] =	ssyncset.done $0x0  }
0x45: {  	s24 =	sadd.s32 $0xFFFFE700, s8;
	[sflag:s31] =	ssyncadd.s32 $0xFFFFE700  }
0x46: {  	[hbm4b:s24+s20] =	stream.strided.scatter [tilespmem:s23], [sflag:$0x4], $0x6400, s21, s20, $0x38;
	[tilespmem:$0x13FA8] =	vst v63  }
0x47: {  	_ =	swait.ge [sflag:s0], $0x6400  }
0x48: {  	[sflag:s0] =	ssyncset.done $0x0  }
0x49: {  	s26 =	simm.s32 $0x340;
	[sflag:s0] =	ssyncadd.s32 $0xFFFF9C00  }
0x4a: {  	[tilespmem:s12], [sflag:$0x1] =	stream.indirect.gather [spmem:s1], $0x40, s26, s11, $0xb8;
	[tilespmem:$0x13FA8] =	vst v63  }
0x4b: {  	s22 =	simm.s32 $0x3A8  }
0x4c: {  	[tilespmem:s14], [sflag:$0x1] =	stream.indirect.gather [spmem:s1], $0x40, s22, s11, $0xb8;
	[tilespmem:$0x13FA8] =	vst v63  }
0x4d: {  	s24 =	simm.s32 $0x410  }
0x4e: {  	[tilespmem:s16], [sflag:$0x1] =	stream.indirect.gather [spmem:s1], $0x40, s24, s11, $0xb8;
	[tilespmem:$0x13FA8] =	vst v63  }
0x4f: {  	s26 =	simm.s32 $0x478  }
0x50: {  	[tilespmem:s18], [sflag:$0x1] =	stream.indirect.gather [spmem:s1], $0x40, s26, s11, $0xb8;
	[tilespmem:$0x13FA8] =	vst v63  }
0x51: {  	_ =	swait.ge [sflag:s19], $0x1900  }
0x52: {  	[sflag:s19] =	ssyncset.done $0x0  }
0x53: {  	[sflag:s19] =	ssyncadd.s32 $0xFFFFE700  }
0x54: {  	_ =	swait.ge [sflag:s19], $0x1900  }
0x55: {  	[sflag:s19] =	ssyncset.done $0x0  }
0x56: {  	[sflag:s19] =	ssyncadd.s32 $0xFFFFE700  }
0x57: {  	_ =	swait.ge [sflag:s19], $0x1900  }
0x58: {  	[sflag:s19] =	ssyncset.done $0x0  }
0x59: {  	[sflag:s19] =	ssyncadd.s32 $0xFFFFE700  }
0x5a: {  	_ =	swait.ge [sflag:s19], $0x1900  }
0x5b: {  	[sflag:s19] =	ssyncset.done $0x0  }
0x5c: {  	[sflag:s19] =	ssyncadd.s32 $0xFFFFE700  }
0x5d: {  	[hbm4b:s8+s20] =	stream.strided.scatter [tilespmem:s12], [sflag:$0x3], $0x6400, s21, s20, $0x38;
	[tilespmem:$0x13FA8] =	vst v63  }
0x5e: {  	_ =	swait.ge [sflag:s13], $0x6400  }
0x5f: {  	[sflag:s13] =	ssyncset.done $0x0  }
0x60: {  	s22 =	simm.s32 $0x4E0;
	[sflag:s13] =	ssyncadd.s32 $0xFFFF9C00  }
0x61: {  	[tilespmem:s23], [sflag:$0x2] =	stream.indirect.gather [spmem:s1], $0x40, s22, s11, $0xb8;
	[tilespmem:$0x13FA8] =	vst v63  }
0x62: {  	s17 =	simm.s32 $0xD00;
	s24 =	simm.s32 $0x548  }
0x63: {  	[tilespmem:s25], [sflag:$0x2] =	stream.indirect.gather [spmem:s1], $0x40, s24, s11, $0xb8;
	[tilespmem:$0x13FA8] =	vst v63  }
0x64: {  	s26 =	simm.s32 $0x5B0;
	s22 =	sadd.s32 $0x3200, s8;
	s24 =	simm.s32 $0x618  }
0x65: {  	[tilespmem:s28], [sflag:$0x2] =	stream.indirect.gather [spmem:s1], $0x40, s26, s11, $0xb8;
	[tilespmem:$0x13FA8] =	vst v63  }
.LBB2_2:
0x66: {  	[tilespmem:s30], [sflag:$0x2] =	stream.indirect.gather [spmem:s1], $0x40, s24, s11, $0xb8;
	[tilespmem:$0x13FA8] =	vst v63  }
0x67: {  	s24 =	smov.u32 s17  }
0x68: {  	p1 =	sne.s32 s17, $0x18600;
	s17 =	sadd.s32 $0xD00, s17;
	_ =	swait.ge [sflag:s31], $0x1900  }
0x69: {  	[sflag:s31] =	ssyncset.done $0x0  }
0x6a: {  	[sflag:s31] =	ssyncadd.s32 $0xFFFFE700  }
0x6b: {  	_ =	swait.ge [sflag:s31], $0x1900  }
0x6c: {  	[sflag:s31] =	ssyncset.done $0x0  }
0x6d: {  	[sflag:s31] =	ssyncadd.s32 $0xFFFFE700  }
0x6e: {  	_ =	swait.ge [sflag:s31], $0x1900  }
0x6f: {  	[sflag:s31] =	ssyncset.done $0x0  }
0x70: {  	[sflag:s31] =	ssyncadd.s32 $0xFFFFE700  }
0x71: {  	_ =	swait.ge [sflag:s31], $0x1900  }
0x72: {  	[sflag:s31] =	ssyncset.done $0x0  }
0x73: {  	s26 =	sadd.s32 $0xFFFFE700, s22;
	[sflag:s31] =	ssyncadd.s32 $0xFFFFE700  }
0x74: {  	[hbm4b:s26+s20] =	stream.strided.scatter [tilespmem:s23], [sflag:$0x4], $0x6400, s21, s20, $0x38;
	[tilespmem:$0x13FA8] =	vst v63  }
0x75: {  	_ =	swait.ge [sflag:s0], $0x6400  }
0x76: {  	s24 =	sshra.s32 s24, $0x2;
	[sflag:s0] =	ssyncset.done $0x0  }
0x77: {  	s26 =	sadd.s32 $0x340, s24;
	[sflag:s0] =	ssyncadd.s32 $0xFFFF9C00  }
0x78: {  	[tilespmem:s12], [sflag:$0x1] =	stream.indirect.gather [spmem:s1], $0x40, s26, s11, $0xb8;
	[tilespmem:$0x13FA8] =	vst v63  }
0x79: {  	s26 =	sadd.s32 $0x3A8, s24  }
0x7a: {  	[tilespmem:s14], [sflag:$0x1] =	stream.indirect.gather [spmem:s1], $0x40, s26, s11, $0xb8;
	[tilespmem:$0x13FA8] =	vst v63  }
0x7b: {  	s26 =	sadd.s32 $0x410, s24  }
0x7c: {  	[tilespmem:s16], [sflag:$0x1] =	stream.indirect.gather [spmem:s1], $0x40, s26, s11, $0xb8;
	[tilespmem:$0x13FA8] =	vst v63  }
0x7d: {  	s26 =	sadd.s32 $0x478, s24  }
0x7e: {  	[tilespmem:s18], [sflag:$0x1] =	stream.indirect.gather [spmem:s1], $0x40, s26, s11, $0xb8;
	[tilespmem:$0x13FA8] =	vst v63  }
0x7f: {  	_ =	swait.ge [sflag:s19], $0x1900  }
0x80: {  	[sflag:s19] =	ssyncset.done $0x0  }
0x81: {  	[sflag:s19] =	ssyncadd.s32 $0xFFFFE700  }
0x82: {  	_ =	swait.ge [sflag:s19], $0x1900  }
0x83: {  	[sflag:s19] =	ssyncset.done $0x0  }
0x84: {  	[sflag:s19] =	ssyncadd.s32 $0xFFFFE700  }
0x85: {  	_ =	swait.ge [sflag:s19], $0x1900  }
0x86: {  	[sflag:s19] =	ssyncset.done $0x0  }
0x87: {  	[sflag:s19] =	ssyncadd.s32 $0xFFFFE700  }
0x88: {  	_ =	swait.ge [sflag:s19], $0x1900  }
0x89: {  	[sflag:s19] =	ssyncset.done $0x0  }
0x8a: {  	[sflag:s19] =	ssyncadd.s32 $0xFFFFE700  }
0x8b: {  	[hbm4b:s22+s20] =	stream.strided.scatter [tilespmem:s12], [sflag:$0x3], $0x6400, s21, s20, $0x38;
	[tilespmem:$0x13FA8] =	vst v63  }
0x8c: {  	_ =	swait.ge [sflag:s13], $0x6400  }
0x8d: {  	[sflag:s13] =	ssyncset.done $0x0  }
0x8e: {  	s26 =	sadd.s32 $0x4E0, s24;
	[sflag:s13] =	ssyncadd.s32 $0xFFFF9C00  }
0x8f: {  	[tilespmem:s23], [sflag:$0x2] =	stream.indirect.gather [spmem:s1], $0x40, s26, s11, $0xb8;
	[tilespmem:$0x13FA8] =	vst v63  }
.Ltmp0:
0x90: {  	s26 =	sadd.s32 $0x548, s24;
	(pc) =	sbr.rel @p1 .LBB2_2-.Ltmp0, $4  }
0x91: {  	[tilespmem:s25], [sflag:$0x2] =	stream.indirect.gather [spmem:s1], $0x40, s26, s11, $0xb8;
	[tilespmem:$0x13FA8] =	vst v63  }
0x92: {  	s26 =	sadd.s32 $0x5B0, s24  }
0x93: {  	[tilespmem:s28], [sflag:$0x2] =	stream.indirect.gather [spmem:s1], $0x40, s26, s11, $0xb8;
	[tilespmem:$0x13FA8] =	vst v63  }
0x94: {  	s22 =	sadd.s32 $0x3200, s22;
	s24 =	sadd.s32 $0x618, s24  }
0x95: {  	[tilespmem:s30], [sflag:$0x2] =	stream.indirect.gather [spmem:s1], $0x40, s24, s11, $0xb8;
	[tilespmem:$0x13FA8] =	vst v63  }
0x96: {  	_ =	swait.ge [sflag:s31], $0x1900  }
0x97: {  	[sflag:s31] =	ssyncset.done $0x0  }
0x98: {  	[sflag:s31] =	ssyncadd.s32 $0xFFFFE700  }
0x99: {  	_ =	swait.ge [sflag:s31], $0x1900  }
0x9a: {  	[sflag:s31] =	ssyncset.done $0x0  }
0x9b: {  	[sflag:s31] =	ssyncadd.s32 $0xFFFFE700  }
0x9c: {  	_ =	swait.ge [sflag:s31], $0x1900  }
0x9d: {  	[sflag:s31] =	ssyncset.done $0x0  }
0x9e: {  	[sflag:s31] =	ssyncadd.s32 $0xFFFFE700  }
0x9f: {  	_ =	swait.ge [sflag:s31], $0x1900  }
0xa0: {  	[sflag:s31] =	ssyncset.done $0x0  }
0xa1: {  	s15 =	sadd.s32 $0x1, s15;
	[sflag:s31] =	ssyncadd.s32 $0xFFFFE700  }
0xa2: {  	[hbm4b:s6+s20] =	stream.strided.scatter [tilespmem:s23], [sflag:$0x4], $0x6400, s21, s20, $0x38;
	[tilespmem:$0x13FA8] =	vst v63  }
0xa3: {  	p1 =	sne.s32 s15, s7;
	_ =	swait.ge [sflag:s0], $0x6400  }
.Ltmp1:
0xa4: {  	[sflag:s0] =	ssyncset.done $0x0;
	(pc) =	sbr.rel @p1 .LBB2_1-.Ltmp1, $4  }
0xa5: {  	[sflag:s0] =	ssyncadd.s32 $0xFFFF9C00  }
0xa6: {  	_ =	swait.ge [sflag:s13], $0x6400  }
0xa7: {  	[sflag:s13] =	ssyncset.done $0x0  }
0xa8: {  	[sflag:s13] =	ssyncadd.s32 $0xFFFF9C00  }
0xa9: {  	_ =	sfence.sel $0x180000  }
0xaa: {  	[bflag:$0x0] =	sbarrier.arrive $0xFFFF  }
0xab: {  	_ =	strace $0x90000047  }
0xac: {  	[bflag:$0x2] =	sbarrier.arrive $0xFFFF  }
0xad: {  	s0 =	rddreg [dreg:$0x3]  }
0xae: {  	s0 =	sadd.s32 @!p0 $0x100000, s0  }
0xaf: {  	[sflag:s0] =	ssyncadd.tile.s32 @!p0 $0x1;
	_ =	shalt  }
.Lfunc_end2:
_tile_overlayer_lowered:
.L_overlay_start_2:
0xb0: {  	(tag) =	ssettag $0x2  }
0xb1: {  	s0 =	rddreg [dreg:$0x0];
	s2 =	stileid.u32  }
0xb2: {  	s1 =	rddreg [dreg:$0x1];
	p0 =	sne.s32 s2, $0x0  }
0xb3: {  	s3 =	rddreg [dreg:$0x2];
	[bflag:$0x3] =	sbarrier.arrive $0xFFFF;
	s2 =	simm.s32 @!p0 $0x1C05  }
0xb4: {  	[timem:s3], [sflag:s2] =	dma.local @!p0 [hbm:s0], s1  }
0xb5: {  	s0 =	simm.s32 @!p0 $0x5  }
0xb6: {  	_ =	swait.ge @!p0 [sflag:s0], s1  }
0xb7: {  	s1 =	ssub.s32 @!p0 $0x0, s1;
	[sflag:s0] =	ssyncset.done @!p0 $0x0  }
0xb8: {  	[sflag:s0] =	ssyncadd.s32 @!p0 s1  }
0xb9: {  	[bflag:$0x3] =	sbarrier.arrive $0xFFFF  }
0xba: {  	_ =	shalt  }

// kernel: sparse-core-data-format-call.cloned.1.call-start
scs
called_computation_lowered:
.L_overlay_start_0:
0x0: {  	s2 =	sld [smem:$0x3FD9]  }
0x1: {  	s3 =	sld [smem:$0x3FFE];
	_ =	sdelay $0x1  }
0x2: {  	s1 =	srdreg.scid  }
0x3: {  	s0 =	sand.u32 $0x1, s1  }
0x4: {  	s18 =	sshll.u32 s0, $0xA;
	s2 =	sadd.s32 s3, s2  }
0x5: {  	s2 =	sadd.s32 s2, s18  }
0x6: {  	[smem:$0x3FC6] =	sst s2  }
0x7: {  	_ = 	snop  }
0x8: {  	s2 =	sld [smem:$0x3FD0];
	(tm) =	ssettm $0x1  }
0x9: {  	s19 =	sld [smem:$0x3FFB];
	_ =	sdelay $0x3  }
0xa: {  	_ =	strace s19  }
0xb: {  	s3 =	sld [smem:$0x3FFC];
	_ =	sdelay $0x3  }
0xc: {  	_ =	strace s3  }
0xd: {  	s3 =	sld [smem:$0x3FFD];
	_ =	sdelay $0x3  }
0xe: {  	_ =	strace s3  }
0xf: {  	_ =	strace $0x8FFFFFFF  }
0x10: {  	s20 =	sld [smem:$0x3FDB];
	_ =	sdelay $0x1  }
0x11: {  	s4 =	simm.s32 $_scs_section_size  }
0x12: {  	s5 =	simm.s32 $_size__tile_overlayer_lowered;
	s6 =	simm.s32 $_tile_overlayer_lowered  }
0x13: {  	s23 =	simm.s32 $0x1BFF;
	s22 =	sshll.u32 s6, $0x1;
	s3 =	sadd.s32 s4, s20  }
0x14: {  	s7 =	simm.s32 $0x0;
	s21 =	sshll.u32 s5, $0x1;
	s5 =	sadd.s32 s22, s3  }
0x15: {  	[timem:s7], [sflag:s23] =	dma.local [hbm:s5], s21  }
0x16: {  	_ =	swait.ge [sflag:s23], s21  }
0x17: {  	s4 =	ssub.s32 $0x0, s21;
	[sflag:s23] =	ssyncset.done $0x0  }
0x18: {  	[sflag:s23] =	ssyncadd.s32 s4;
	_ =	sdelay $0x1  }
0x19: {  	s24 =	simm.s32 $0x1B8B  }
0x1a: {  	_ =	swait.ge [sflag:s24], $0x1  }
0x1b: {  	[sflag:s24] =	ssyncset.done $0x0  }
0x1c: {  	s26 =	simm.s32 $0x1B8E;
	s25 =	sld [smem:$0x3FFE];
	[sflag:s24] =	ssyncadd.s32 $0xFFFFFFFF  }
0x1d: {  	s27 =	simm.s32 $execute0_lowered;
	[smem:$0x3FD2] =	sst s26  }
0x1e: {  	s5 =	sshll.u32 s27, $0x1;
	_ =	strace $0x80000049;
	[dreg:$0x1] =	wrdreg $0xFFFFFFFF  }
0x1f: {  	s28 =	simm.s32 $_size_execute0_lowered;
	s3 =	sadd.s32 s3, s5;
	[dreg:$0x0] =	wrdreg $0x0  }
0x20: {  	s5 =	sshll.u32 s28, $0x1;
	[dreg:$0x2] =	wrdreg s3  }
0x21: {  	[dreg:$0x3] =	wrdreg s5  }
0x22: {  	[dreg:$0x4] =	wrdreg $0xC0  }
0x23: {  	_ =	task [dreg:s7], $0x5FFFF  }
0x24: {  	[dreg:$0x1] =	wrdreg $0xFFFFFFFF  }
0x25: {  	[dreg:$0x0] =	wrdreg $0x60  }
0x26: {  	[dreg:$0x2] =	wrdreg s25  }
0x27: {  	[dreg:$0x3] =	wrdreg s2  }
0x28: {  	[dreg:$0x4] =	wrdreg $0x9  }
0x29: {  	_ =	task.clear_ibuf [dreg:s7], $0x5FFFF;
	_ =	strace $0x90000049  }
0x2a: {  	s29 =	simm.s32 $0x9;
	_ =	strace $0x8000004B  }
0x2b: {  	_ =	swait.ge [sflag:s29], $0x1  }
0x2c: {  	[sflag:s29] =	ssyncadd.s32 $0xFFFFFFFF  }
0x2d: {  	_ =	strace $0x9000004B  }
0x2e: {  	_ =	sfence  }
0x2f: {  	s30 =	sld [smem:$0x0];
	_ =	sdelay $0x2  }
0x30: {  	s31 =	sshll.u32 s1, $0xD;
	s1 =	sshrl.u32 s1, $0x2  }
0x31: {  	s3 =	sand.u32 $0x4000, s31;
	s1 =	sadd.s32 s1, s30  }
0x32: {  	s0 =	sor.u32 s3, s0;
	s1 =	sshll.u32 s1, $0x11  }
0x33: {  	s0 =	sor.u32 s1, s0  }
0x34: {  	s0 =	sadd.s32 $0x8F2B, s0  }
0x35: {  	[sflag:s0] =	ssyncadd.remote.s32 $0x1  }
0x36: {  	_ =	sfence.sel $0xFFFF  }
0x37: {  	[dreg:$0x0] =	wrdreg $0xFFFFFFFF;
	(pc) =	sbr.abs _section_cstart, $3  }
0x38: {  	[dreg:$0x1] =	wrdreg $0xFFFFFFFF  }
0x39: {  	_ =	task.clear_ibuf [dreg:s7], $0x2FFFF;
	_ =	strace $0x9FFFFFFF  }
0x3a: {  	(tm) =	ssettm $0x7FFFFFFF  }
0x3b: {  	_ =	shalt  }
tec
execute0_lowered:
.L_overlay_start_1:
0x0: {  	(tag) =	ssettag $0x1  }
0x1: {  	s0 =	srdreg.scid  }
0x2: {  	s1 =	sshll.u32 s0, $0x4  }
0x3: {  	s0 =	stileid.u32;
	s1 =	sand.u32 $0x10, s1  }
0x4: {  	s1 =	sor.u32 s0, s1  }
0x5: {  	s6 =	rddreg [dreg:$0x0];
	s4 =	simm.s32 $0x1;
	s2 =	sshll.u32 s1, $0x7  }
0x6: {  	s7 =	simm.s32 $0x2;
	s12 =	simm.s32 $0x0;
	s1 =	ssub.s32 $0x1000, s2  }
0x7: {  	s8 =	simm.s32 $0x8000;
	s13 =	simm.s32 $0x0;
	s3 =	sand.u32 $0xF80, s1  }
0x8: {  	s9 =	simm.s32 $0x0;
	s5 =	sshrl.u32 s1, $0xC;
	p0 =	sne.s32 s3, $0x0  }
.Ltmp0:
0x9: {  	s1 =	rddreg [dreg:$0x2];
	s4 =	simm.s32 @!p0 $0x0;
	(pc) =	sbr.rel .LBB1_1-.Ltmp0, $4  }
0xa: {  	s11 =	simm.s32 $0x0;
	s3 =	rddreg [dreg:$0x1];
	s5 =	sadd.s32 s4, s5  }
0xb: {  	_ =	strace $0x8000004A;
	s4 =	simm.s32 $0x1;
	s5 =	smul.u32 $0xC8, s5  }
0xc: {  	s6 =	sadd.s32 $0x2800, s6;
	s10 =	smov.u32 s2;
	[sflag:s4] =	ssyncpa.u1 $0x0  }
0xd: {  	p0 =	por $0x0, $0x0;
	[sflag:s7] =	ssyncpa.u1 $0x0;
	s7 =	sor.u32 $0x1, s5  }
.LBB1_4:
0xe: {  	s16 =	sshll.u32 s13, $0x3;
	s17 =	sand.u32 $0x78, s13  }
0xf: {  	s30 =	sand.u32 $0x7E00, s13;
	s12 =	sshll.u32 s12, $0xF;
	s16 =	sand.u32 $0xC00, s16  }
0x10: {  	[tilespmem:s15+$0x810 ss:$0x81] =	vst.msk $0xffff, v2;
	s31 =	sand.u32 $0x7, s13;
	s16 =	sor.u32 s17, s16;
	s17 =	sadd.s32 s3, s30  }
0x11: {  	[tilespmem:s15+$0x1020 ss:$0x81] =	vst.msk $0xffff, v0;
	s13 =	sshll.u32 s31, $0x12;
	s12 =	sadd.s32 s12, s17;
	s16 =	sshrl.u32 s16, $0x3  }
0x12: {  	[tilespmem:s15+$0x0 ss:$0x81] =	vst.msk $0xffff, v1;
	s13 =	sor.u32 $0x400, s13;
	s12 =	sadd.s32 s16, s12  }
0x13: {  	[hbm4b:s12+s13] =	stream.strided.scatter [tilespmem:s14], [sflag:$0x2], $0x2000, s8, s13, $0x20;
	[tilespmem:$0x8080] =	vst v63  }
.LBB1_5:
0x14: {  	s14 =	sadd.s32 $0x1, s9  }
0x15: {  	s12 =	sadd.s32 $0x1000, s10;
	s16 =	smov.u32 s10;
	p2 =	sgt.s32 s14, $0xC7  }
0x16: {  	s16 =	smov.u32 @p2 s12  }
0x17: {  	s14 =	simm.s32 @p2 $0x0;
	p2 =	sgt.s32 s16, $0xFFF  }
0x18: {  	s16 =	smov.u32 @p2 s2;
	p2 =	sne.s32 s11, s7  }
.Ltmp1:
0x19: {  	p1 =	slt.u32 s11, $0x2;
	(pc) =	sbr.rel @!p2 .LBB1_6-.Ltmp1, $4  }
0x1a: {  	s15 =	simm.s32 @!p1 $0x2  }
0x1b: {  	s13 =	smov.u32 s10;
	p0 =	por !p0, !p0;
	_ =	swait.ge @!p1 [sflag:s15], $0x2000  }
0x1c: {  	s12 =	smov.u32 s9;
	[sflag:s15] =	ssyncset.done @!p1 $0x0;
	s9 =	smov.u32 s14  }
0x1d: {  	s11 =	sadd.s32 $0x1, s11;
	[sflag:s15] =	ssyncadd.s32 @!p1 $0xFFFFE000;
	s10 =	smov.u32 s16  }
.LBB1_1:
0x1e: {  	p1 =	sge.u32 s11, s5  }
0x1f: {  	s14 =	sand.u32 @!p1 $0x1FFFFFF, s9  }
0x20: {  	s15 =	smulhi.u32 @!p1 $0x147AE15, s14;
	_ =	sdelay $0x1  }
0x21: {  	s15 =	smul.u32 @!p1 $0xC8, s15  }
0x22: {  	s16 =	sxor.u32 @!p1 $0xFFFFFFFF, s11;
	s17 =	smul.u32 @!p1 $0xC80, s10  }
0x23: {  	s31 =	sadd.s32 $0xFFFFFFFF, s11;
	s16 =	sshll.u32 @!p1 s16, $0xD;
	s14 =	ssub.s32 @!p1 s14, s15  }
0x24: {  	s15 =	sand.u32 @!p1 $0x2000, s16;
	s16 =	sadd.s32 @!p1 s6, s17;
	s14 =	sshll.u32 @!p1 s14, $0x4  }
0x25: {  	s17 =	simm.s32 @!p1 $0x6400;
	s14 =	sadd.s32 @!p1 s14, s16;
	s16 =	simm.s32 @!p1 $0x40  }
0x26: {  	[tilespmem:s15], [sflag:$0x1] =	stream.strided.gather @!p1 [hbm4b:s14+s16], $0x2000, s17, s16, $0x38;
	[tilespmem:$0x8080] =	vst v63  }
0x27: {  	p1 =	sge.u32 s31, s5  }
.Ltmp2:
0x28: {  	_ = 	snop;
	(pc) =	sbr.rel @p1 .LBB1_5-.Ltmp2, $1  }
0x29: {  	_ =	sdelay $0x3  }
0x2a: {  	s14 =	simm.s32 $0x1  }
0x2b: {  	_ =	swait.ge [sflag:s4], $0x2000;
	s14 =	simm.s32 @!p0 $0x0  }
0x2c: {  	[sflag:s4] =	ssyncset.done $0x0;
	s15 =	sshll.u32 s14, $0xD  }
0x2d: {  	[sflag:s4] =	ssyncadd.s32 $0xFFFFE000;
	s18 =	sor.u32 $0x20, s15  }
0x2e: {  	s14 =	smul.u32 $0x8100, s14;
	v3 =	vld [tilespmem:s18+$0x10]  }
0x2f: {  	s30 =	sand.u32 $0x1, s11;
	v2 =	vld [tilespmem:s18+$0xFFFFFFF0]  }
0x30: {  	s15 =	smul.u32 $0x8100, s30;
	s14 =	sshrl.u32 s14, $0x2;
	v0 =	vld [tilespmem:s18+$0x0]  }
0x31: {  	v1 =	vld [tilespmem:s18+$0xFFFFFFE0];
	s16 =	sor.u32 $0x4000, s14  }
0x32: {  	s31 =	sshrl.u32 s15, $0x2;
	s15 =	sadd.s32 $0x0, s16  }
0x33: {  	s17 =	simm.s32 $0x4;
	s18 =	sadd.s32 $0x40, s18;
	s14 =	sor.u32 $0x4000, s31;
	[tilespmem:s15+$0x1830 ss:$0x81] =	vst.msk $0xffff, v3  }
.LBB1_3:
0x34: {  	v3 =	vld [tilespmem:s18+$0x10];
	p1 =	sne.s32 s17, $0x1FC;
	[tilespmem:s15+$0x810 ss:$0x81] =	vst.msk $0xffff, v2;
	s19 =	smov.u32 s17;
	s17 =	sadd.s32 $0x4, s17  }
.Ltmp3:
0x35: {  	v2 =	vld [tilespmem:s18+$0xFFFFFFF0];
	[tilespmem:s15+$0x1020 ss:$0x81] =	vst.msk $0xffff, v0;
	(pc) =	sbr.rel @p1 .LBB1_3-.Ltmp3, $4  }
0x36: {  	v0 =	vld [tilespmem:s18+$0x0];
	[tilespmem:s15+$0x0 ss:$0x81] =	vst.msk $0xffff, v1  }
0x37: {  	s15 =	sshra.s32 s19, $0x2;
	v1 =	vld [tilespmem:s18+$0xFFFFFFE0]  }
0x38: {  	s15 =	sadd.s32 s15, s16  }
0x39: {  	s18 =	sadd.s32 $0x40, s18;
	[tilespmem:s15+$0x1830 ss:$0x81] =	vst.msk $0xffff, v3  }
.Ltmp4:
0x3a: {  	_ = 	snop;
	(pc) =	sbr.rel .LBB1_4-.Ltmp4, $1  }
0x3b: {  	_ =	sdelay $0x3  }
.LBB1_6:
0x3c: {  	_ =	sfence.sel $0x180000  }
0x3d: {  	s2 =	simm.s32 $0x1;
	[bflag:$0x0] =	sbarrier.arrive $0xFFFF  }
0x3e: {  	s31 =	simm.s32 $0x2;
	[sflag:s2] =	ssyncpa.u1 $0x1  }
0x3f: {  	[sflag:s31] =	ssyncpa.u1 $0x1  }
0x40: {  	p0 =	sne.s32 s0, $0x0;
	_ =	strace $0x9000004A  }
0x41: {  	s0 =	sadd.s32 @!p0 $0x100000, s1;
	[bflag:$0x2] =	sbarrier.arrive $0xFFFF  }
0x42: {  	[sflag:s0] =	ssyncadd.tile.s32 @!p0 $0x1;
	_ =	shalt  }
.Lfunc_end1:
_tile_overlayer_lowered:
.L_overlay_start_2:
0x43: {  	(tag) =	ssettag $0x2  }
0x44: {  	s0 =	rddreg [dreg:$0x0];
	s2 =	stileid.u32  }
0x45: {  	s1 =	rddreg [dreg:$0x1];
	p0 =	sne.s32 s2, $0x0  }
0x46: {  	s3 =	rddreg [dreg:$0x2];
	[bflag:$0x3] =	sbarrier.arrive $0xFFFF;
	s2 =	simm.s32 @!p0 $0x1C01  }
0x47: {  	[timem:s3], [sflag:s2] =	dma.local @!p0 [hbm:s0], s1  }
0x48: {  	s0 =	simm.s32 @!p0 $0x1  }
0x49: {  	_ =	swait.ge @!p0 [sflag:s0], s1  }
0x4a: {  	s1 =	ssub.s32 @!p0 $0x0, s1;
	[sflag:s0] =	ssyncset.done @!p0 $0x0  }
0x4b: {  	[sflag:s0] =	ssyncadd.s32 @!p0 s1  }
0x4c: {  	[bflag:$0x3] =	sbarrier.arrive $0xFFFF  }
0x4d: {  	_ =	shalt  }

</sc_bundles>
